<compile_context>
chip_gen: v7x
topology: tpu7x:2x2x1
jax: 0.10.2.dev20260603
libtpu: 0.0.44.dev20260713+nightly
codegen_flags: <defaults>
</compile_context>

<pallas_src>
import functools

import jax
import jax.numpy as jnp
from jax import lax
from jax.experimental import pallas as pl
from jax.experimental.pallas import tpu as pltpu
from jax.experimental.pallas import tpu_sc as plsc

N_NODES = 10000
N_EDGES = 320000
D_FEAT = 128

NC = 2
NS = 16
NW = NC * NS

EPW = N_EDGES // NW
CHUNK = 80
N_CHUNKS = EPW // CHUNK
N_PAD = 10240
ROWS_PER_TILE = N_PAD // NS


def _sc_segment_sum(feat, edges_flat, zeros_tile):
    mesh = plsc.VectorSubcoreMesh(core_axis_name="c", subcore_axis_name="s")

    @functools.partial(
        pl.kernel,
        out_type=jax.ShapeDtypeStruct((2, N_PAD, D_FEAT), jnp.float32),
        mesh=mesh,
        scratch_types=(
            [pltpu.VMEM((EPW,), jnp.int32)]
            + [pltpu.VMEM((CHUNK,), jnp.int32) for _ in range(3)]
            + [pltpu.VMEM((CHUNK, D_FEAT), jnp.float32) for _ in range(3)]
            + [pltpu.VMEM_SHARED((N_PAD, D_FEAT), jnp.float32)]
            + [pltpu.SemaphoreType.DMA for _ in range(9)]
        ),
    )
    def k(feat_hbm, edges_hbm, zeros_hbm, out_hbm, src_v,
          d0, d1, d2, r0, r1, r2, acc_sh, *sems):
        dstb = [d0, d1, d2]
        rows = [r0, r1, r2]
        semi = sems[0:3]
        semg = sems[3:6]
        sems_ = sems[6:9]
        cid = lax.axis_index("c")
        sid = lax.axis_index("s")
        wid = sid * NC + cid
        base = wid * EPW

        pltpu.async_copy(edges_hbm.at[pl.ds(base, EPW)], src_v, semi[0])
        pltpu.async_copy(
            zeros_hbm, acc_sh.at[pl.ds(sid * ROWS_PER_TILE, ROWS_PER_TILE)], semg[0])
        pltpu.make_async_copy(edges_hbm.at[pl.ds(0, EPW)], src_v, semi[0]).wait()
        pltpu.make_async_copy(
            zeros_hbm, acc_sh.at[pl.ds(0, ROWS_PER_TILE)], semg[0]).wait()
        plsc.subcore_barrier()

        def start_g(c, b):
            pltpu.async_copy(
                edges_hbm.at[pl.ds(N_EDGES + base + c * CHUNK, CHUNK)], dstb[b], semi[b])
            pltpu.async_copy(
                feat_hbm.at[src_v.at[pl.ds(c * CHUNK, CHUNK)]], rows[b], semg[b])

        def drain_g(b):
            pltpu.make_async_copy(edges_hbm.at[pl.ds(0, CHUNK)], dstb[b], semi[b]).wait()
            pltpu.make_async_copy(feat_hbm.at[pl.ds(0, CHUNK)], rows[b], semg[b]).wait()

        def start_s(b):
            pltpu.async_copy(rows[b], acc_sh.at[dstb[b]], sems_[b], add=True)

        def drain_s(b):
            pltpu.make_async_copy(rows[b], acc_sh.at[pl.ds(0, CHUNK)], sems_[b]).wait()

        start_g(0, 0)
        start_g(1, 1)
        drain_g(0); start_s(0); start_g(2, 2)

        def step(c, b):
            drain_g(b)
            start_s(b)
            drain_s((b + 2) % 3)
            start_g(c + 2, (b + 2) % 3)

        def triple(t, carry):
            c0 = 3 * t + 1
            step(c0, 1)
            step(c0 + 1, 2)
            step(c0 + 2, 0)
            return carry

        lax.fori_loop(0, 40, triple, 0)

        step(121, 1)
        step(122, 2)
        drain_g(0); start_s(0); drain_s(2)
        drain_g(1); start_s(1); drain_s(0)
        drain_s(1)

        plsc.subcore_barrier()
        row0 = sid * ROWS_PER_TILE
        pltpu.sync_copy(
            acc_sh.at[pl.ds(row0, ROWS_PER_TILE)],
            out_hbm.at[cid, pl.ds(row0, ROWS_PER_TILE)],
        )

    return k(feat, edges_flat, zeros_tile)


ROW_BLK = 2000


def _mlp_body(scale_ref, feat_ref, p_ref, w1_ref, b1_ref, w2_ref, b2_ref, out_ref):
    h = scale_ref[0] * feat_ref[...] + p_ref[0] + p_ref[1]
    h1 = jnp.dot(h.astype(jnp.bfloat16), w1_ref[...],
                 preferred_element_type=jnp.float32) + b1_ref[...]
    h1 = jnp.maximum(h1, 0.0)
    out_ref[...] = (
        jnp.dot(h1.astype(jnp.bfloat16), w2_ref[...],
                preferred_element_type=jnp.float32) + b2_ref[...]
    )


def _tc_mlp(feat, partials, W1, b1, W2, b2, scale):
    n_blocks = N_NODES // ROW_BLK
    row_spec = pl.BlockSpec((ROW_BLK, D_FEAT), lambda i: (i, 0))
    p_spec = pl.BlockSpec((2, ROW_BLK, D_FEAT), lambda i: (0, i, 0))
    full_spec = pl.BlockSpec((D_FEAT, D_FEAT), lambda i: (0, 0))
    bias_spec = pl.BlockSpec((1, D_FEAT), lambda i: (0, 0))
    return pl.pallas_call(
        _mlp_body,
        grid=(n_blocks,),
        in_specs=[
            pl.BlockSpec(memory_space=pltpu.SMEM),
            row_spec, p_spec, full_spec, bias_spec, full_spec, bias_spec,
        ],
        out_specs=row_spec,
        out_shape=jax.ShapeDtypeStruct((N_NODES, D_FEAT), jnp.float32),
    )(scale, feat, partials, W1.astype(jnp.bfloat16), b1.reshape(1, D_FEAT),
      W2.astype(jnp.bfloat16), b2.reshape(1, D_FEAT))


@jax.jit
def kernel(feat, edge_index, W1, b1, W2, b2, eps):
    edges_flat = edge_index.astype(jnp.int32).reshape(2 * N_EDGES)
    zeros_tile = jnp.zeros((ROWS_PER_TILE, D_FEAT), jnp.float32)
    partials = _sc_segment_sum(feat, edges_flat, zeros_tile)
    scale = jnp.reshape(1.0 + eps, (1,)).astype(jnp.float32)
    return _tc_mlp(feat, partials, W1, b1, W2, b2, scale)

# --- scband reference (transcript-rebuilt; emitter-appended) ---
"""Pipeline reference for scband-ginconv-59528246723311 (READ-ONLY COPY).

The authoritative reference and input builder live on the scoring server;
editing this copy changes nothing except your own understanding.
"""

import jax, jax.numpy as jnp
import numpy as np

N_NODES = 10000
N_EDGES = 320000
D_FEAT = 128


def setup_inputs(seed: int = 0) -> dict:
    key = jax.random.key(seed)
    k_feat, k_edge, k_w1, k_b1, k_w2, k_b2 = jax.random.split(key, 6)
    feat = jax.random.normal(k_feat, (N_NODES, D_FEAT), dtype=jnp.float32)
    edge_index = jax.random.randint(k_edge, (2, N_EDGES), 0, N_NODES, dtype=jnp.int64)
    # GIN 'nn' module: 2-layer MLP Linear(128,128) -> ReLU -> Linear(128,128)
    W1 = jax.random.normal(k_w1, (D_FEAT, D_FEAT), dtype=jnp.float32) * (1.0 / np.sqrt(D_FEAT))
    b1 = jnp.zeros((D_FEAT,), dtype=jnp.float32)
    W2 = jax.random.normal(k_w2, (D_FEAT, D_FEAT), dtype=jnp.float32) * (1.0 / np.sqrt(D_FEAT))
    b2 = jnp.zeros((D_FEAT,), dtype=jnp.float32)
    # eps is a buffer (learn_eps=False), init_eps=0
    eps = jnp.array(0.0, dtype=jnp.float32)
    return {"feat": feat, "edge_index": edge_index, "W1": W1, "b1": b1, "W2": W2, "b2": b2, "eps": eps}


def reference(feat, edge_index, W1, b1, W2, b2, eps):
    # message: copy_u('h','m'); reduce: sum('m','neigh')
    src = edge_index[0]
    dst = edge_index[1]
    messages = jnp.take(feat, src, axis=0)            # gather source node features along edges
    neigh = jax.ops.segment_sum(messages, dst, num_segments=feat.shape[0])  # scatter-add to dst
    h = (1.0 + eps) * feat + neigh
    # apply self.nn (MLP)
    h = jnp.dot(h, W1) + b1
    h = jax.nn.relu(h)
    h = jnp.dot(h, W2) + b2
    return h

if __name__ == "__main__":
    import jax
    _d = setup_inputs()
    print(jax.jit(kernel)(*tuple(_d.values())))

</pallas_src>

<mosaic_0001>
#map = affine_map<(d0, d1) -> (0, 0)>
#map1 = affine_map<(d0, d1) -> (0)>
#map2 = affine_map<(d0, d1) -> (0, 0, 0)>
module attributes {stable_mosaic.version = 14 : i64} {
  func.func @k(%arg0: i32, %arg1: i32, %arg2: memref<10000x128xf32, #tpu.memory_space<hbm>>, %arg3: memref<640000xi32, #tpu.memory_space<hbm>>, %arg4: memref<640x128xf32, #tpu.memory_space<hbm>>, %arg5: memref<2x10240x128xf32, #tpu.memory_space<hbm>>, %arg6: memref<10000xi32, #tpu.memory_space<vmem>>, %arg7: memref<80xi32, #tpu.memory_space<vmem>>, %arg8: memref<80xi32, #tpu.memory_space<vmem>>, %arg9: memref<80xi32, #tpu.memory_space<vmem>>, %arg10: memref<80x128xf32, #tpu.memory_space<vmem>>, %arg11: memref<80x128xf32, #tpu.memory_space<vmem>>, %arg12: memref<80x128xf32, #tpu.memory_space<vmem>>, %arg13: memref<10240x128xf32, #tpu.memory_space<vmem_shared>>, %arg14: memref<!tpu.dma_semaphore, #tpu.memory_space<semaphore_mem>>, %arg15: memref<!tpu.dma_semaphore, #tpu.memory_space<semaphore_mem>>, %arg16: memref<!tpu.dma_semaphore, #tpu.memory_space<semaphore_mem>>, %arg17: memref<!tpu.dma_semaphore, #tpu.memory_space<semaphore_mem>>, %arg18: memref<!tpu.dma_semaphore, #tpu.memory_space<semaphore_mem>>, %arg19: memref<!tpu.dma_semaphore, #tpu.memory_space<semaphore_mem>>, %arg20: memref<!tpu.dma_semaphore, #tpu.memory_space<semaphore_mem>>, %arg21: memref<!tpu.dma_semaphore, #tpu.memory_space<semaphore_mem>>, %arg22: memref<!tpu.dma_semaphore, #tpu.memory_space<semaphore_mem>>) attributes {dimension_semantics = [#tpu.dimension_semantics<core_parallel>, #tpu.dimension_semantics<subcore_parallel>], iteration_bounds = array<i64: 2, 16>, scalar_prefetch = 0 : i64, scratch_operands = 17 : i64, tpu.core_type = #tpu.core_type<sc_vector_subcore>, window_params = [{transform_indices = #map}, {transform_indices = #map1}, {transform_indices = #map}, {transform_indices = #map2}]} {
    %mul3A = arith.constant 2 : i32
    %mul3A_0 = arith.muli %arg1, %mul3A : i32
    %add3A = arith.addi %mul3A_0, %arg0 : i32
    %mul3A_1 = arith.constant 10000 : i32
    %mul3A_2 = arith.muli %add3A, %mul3A_1 : i32
    %dma_start3A = tpu.memref_slice %arg3[%mul3A_2] : memref<640000xi32, #tpu.memory_space<hbm>> -> memref<10000xi32, #tpu.memory_space<hbm>>
    %dma_start3A_3 = tpu.memref_slice %arg3[%mul3A_2] : memref<640000xi32, #tpu.memory_space<hbm>> -> memref<10000xi32, #tpu.memory_space<hbm>>
    tpu.enqueue_dma source(%dma_start3A_3 : memref<10000xi32, #tpu.memory_space<hbm>>) target(%arg6 : memref<10000xi32, #tpu.memory_space<vmem>>) target_semaphore(%arg14 : memref<!tpu.dma_semaphore, #tpu.memory_space<semaphore_mem>>)
    %mul3A_4 = arith.constant 640 : i32
    %mul3A_5 = arith.muli %arg1, %mul3A_4 : i32
    %dma_start3A_6 = arith.constant 0 : i32
    %dma_start3A_7 = tpu.memref_slice %arg13[%mul3A_5, %dma_start3A_6] : memref<10240x128xf32, #tpu.memory_space<vmem_shared>> -> memref<640x128xf32, #tpu.memory_space<vmem_shared>>
    tpu.enqueue_dma source(%arg4 : memref<640x128xf32, #tpu.memory_space<hbm>>) target(%dma_start3A_7 : memref<640x128xf32, #tpu.memory_space<vmem_shared>>) target_semaphore(%arg17 : memref<!tpu.dma_semaphore, #tpu.memory_space<semaphore_mem>>)
    %dma_wait3A = arith.constant 0 : i32
    %dma_wait3A_8 = tpu.memref_slice %arg3[%dma_wait3A] : memref<640000xi32, #tpu.memory_space<hbm>> -> memref<10000xi32, #tpu.memory_space<hbm>>
    %dma_wait3A_9 = arith.constant 0 : i32
    %dma_wait3A_10 = tpu.memref_slice %arg3[%dma_wait3A_9] : memref<640000xi32, #tpu.memory_space<hbm>> -> memref<10000xi32, #tpu.memory_space<hbm>>
    tpu.wait_dma2 semaphore(%arg14 : memref<!tpu.dma_semaphore, #tpu.memory_space<semaphore_mem>>) src(%dma_wait3A_10 : memref<10000xi32, #tpu.memory_space<hbm>>) dst(%arg6 : memref<10000xi32, #tpu.memory_space<vmem>>)
    %dma_wait3A_11 = arith.constant 0 : i32
    %dma_wait3A_12 = arith.constant 0 : i32
    %dma_wait3A_13 = tpu.memref_slice %arg13[%dma_wait3A_11, %dma_wait3A_12] : memref<10240x128xf32, #tpu.memory_space<vmem_shared>> -> memref<640x128xf32, #tpu.memory_space<vmem_shared>>
    tpu.wait_dma2 semaphore(%arg17 : memref<!tpu.dma_semaphore, #tpu.memory_space<semaphore_mem>>) src(%arg4 : memref<640x128xf32, #tpu.memory_space<hbm>>) dst(%dma_wait3A_13 : memref<640x128xf32, #tpu.memory_space<vmem_shared>>)
    %barrier3A = arith.constant 0 : index
    tpu.barrier barrier_id(%barrier3A)
    %add3A_14 = arith.constant 320000 : i32
    %add3A_15 = arith.addi %add3A_14, %mul3A_2 : i32
    %add3A_16 = arith.constant 0 : i32
    %add3A_17 = arith.addi %add3A_15, %add3A_16 : i32
    %dma_start3A_18 = tpu.memref_slice %arg3[%add3A_17] : memref<640000xi32, #tpu.memory_space<hbm>> -> memref<80xi32, #tpu.memory_space<hbm>>
    %dma_start3A_19 = tpu.memref_slice %arg3[%add3A_17] : memref<640000xi32, #tpu.memory_space<hbm>> -> memref<80xi32, #tpu.memory_space<hbm>>
    tpu.enqueue_dma source(%dma_start3A_19 : memref<80xi32, #tpu.memory_space<hbm>>) target(%arg7 : memref<80xi32, #tpu.memory_space<vmem>>) target_semaphore(%arg14 : memref<!tpu.dma_semaphore, #tpu.memory_space<semaphore_mem>>)
    %dma_start3A_20 = arith.constant 0 : i32
    %dma_start3A_21 = tpu.memref_slice %arg6[%dma_start3A_20] : memref<10000xi32, #tpu.memory_space<vmem>> -> memref<80xi32, #tpu.memory_space<vmem>>
    %dma_start3A_22 = arith.constant 0 : i32
    %dma_start3A_23 = arith.constant 0 : i32
    %dma_start3A_24 = tpu.memref_slice %arg2[%dma_start3A_22, %dma_start3A_23] : memref<10000x128xf32, #tpu.memory_space<hbm>> -> memref<10000x128xf32, #tpu.memory_space<hbm>>
    tpu.enqueue_indirect_dma source(%dma_start3A_24 : memref<10000x128xf32, #tpu.memory_space<hbm>>) target(%arg10 : memref<80x128xf32, #tpu.memory_space<vmem>>) offsets(%dma_start3A_21 : memref<80xi32, #tpu.memory_space<vmem>>) semaphore(%arg17 : memref<!tpu.dma_semaphore, #tpu.memory_space<semaphore_mem>>)
    %add3A_25 = arith.constant 320000 : i32
    %add3A_26 = arith.addi %add3A_25, %mul3A_2 : i32
    %add3A_27 = arith.constant 80 : i32
    %add3A_28 = arith.addi %add3A_26, %add3A_27 : i32
    %dma_start3A_29 = tpu.memref_slice %arg3[%add3A_28] : memref<640000xi32, #tpu.memory_space<hbm>> -> memref<80xi32, #tpu.memory_space<hbm>>
    %dma_start3A_30 = tpu.memref_slice %arg3[%add3A_28] : memref<640000xi32, #tpu.memory_space<hbm>> -> memref<80xi32, #tpu.memory_space<hbm>>
    tpu.enqueue_dma source(%dma_start3A_30 : memref<80xi32, #tpu.memory_space<hbm>>) target(%arg8 : memref<80xi32, #tpu.memory_space<vmem>>) target_semaphore(%arg15 : memref<!tpu.dma_semaphore, #tpu.memory_space<semaphore_mem>>)
    %dma_start3A_31 = arith.constant 80 : i32
    %dma_start3A_32 = tpu.memref_slice %arg6[%dma_start3A_31] : memref<10000xi32, #tpu.memory_space<vmem>> -> memref<80xi32, #tpu.memory_space<vmem>>
    %dma_start3A_33 = arith.constant 0 : i32
    %dma_start3A_34 = arith.constant 0 : i32
    %dma_start3A_35 = tpu.memref_slice %arg2[%dma_start3A_33, %dma_start3A_34] : memref<10000x128xf32, #tpu.memory_space<hbm>> -> memref<10000x128xf32, #tpu.memory_space<hbm>>
    tpu.enqueue_indirect_dma source(%dma_start3A_35 : memref<10000x128xf32, #tpu.memory_space<hbm>>) target(%arg11 : memref<80x128xf32, #tpu.memory_space<vmem>>) offsets(%dma_start3A_32 : memref<80xi32, #tpu.memory_space<vmem>>) semaphore(%arg18 : memref<!tpu.dma_semaphore, #tpu.memory_space<semaphore_mem>>)
    %dma_wait3A_36 = arith.constant 0 : i32
    %dma_wait3A_37 = tpu.memref_slice %arg3[%dma_wait3A_36] : memref<640000xi32, #tpu.memory_space<hbm>> -> memref<80xi32, #tpu.memory_space<hbm>>
    %dma_wait3A_38 = arith.constant 0 : i32
    %dma_wait3A_39 = tpu.memref_slice %arg3[%dma_wait3A_38] : memref<640000xi32, #tpu.memory_space<hbm>> -> memref<80xi32, #tpu.memory_space<hbm>>
    tpu.wait_dma2 semaphore(%arg14 : memref<!tpu.dma_semaphore, #tpu.memory_space<semaphore_mem>>) src(%dma_wait3A_39 : memref<80xi32, #tpu.memory_space<hbm>>) dst(%arg7 : memref<80xi32, #tpu.memory_space<vmem>>)
    %dma_wait3A_40 = arith.constant 0 : i32
    %dma_wait3A_41 = arith.constant 0 : i32
    %dma_wait3A_42 = tpu.memref_slice %arg2[%dma_wait3A_40, %dma_wait3A_41] : memref<10000x128xf32, #tpu.memory_space<hbm>> -> memref<80x128xf32, #tpu.memory_space<hbm>>
    %dma_wait3A_43 = arith.constant 0 : i32
    %dma_wait3A_44 = arith.constant 0 : i32
    %dma_wait3A_45 = tpu.memref_slice %arg2[%dma_wait3A_43, %dma_wait3A_44] : memref<10000x128xf32, #tpu.memory_space<hbm>> -> memref<80x128xf32, #tpu.memory_space<hbm>>
    tpu.wait_dma2 semaphore(%arg17 : memref<!tpu.dma_semaphore, #tpu.memory_space<semaphore_mem>>) src(%dma_wait3A_45 : memref<80x128xf32, #tpu.memory_space<hbm>>) dst(%arg10 : memref<80x128xf32, #tpu.memory_space<vmem>>)
    %dma_start3A_46 = arith.constant 0 : i32
    %dma_start3A_47 = arith.constant 0 : i32
    %dma_start3A_48 = tpu.memref_slice %arg13[%dma_start3A_46, %dma_start3A_47] : memref<10240x128xf32, #tpu.memory_space<vmem_shared>> -> memref<10240x128xf32, #tpu.memory_space<vmem_shared>>
    tpu.enqueue_indirect_dma source(%arg10 : memref<80x128xf32, #tpu.memory_space<vmem>>) target(%dma_start3A_48 : memref<10240x128xf32, #tpu.memory_space<vmem_shared>>) offsets(%arg7 : memref<80xi32, #tpu.memory_space<vmem>>) semaphore(%arg20 : memref<!tpu.dma_semaphore, #tpu.memory_space<semaphore_mem>>) {add = true}
    %add3A_49 = arith.constant 320000 : i32
    %add3A_50 = arith.addi %add3A_49, %mul3A_2 : i32
    %add3A_51 = arith.constant 160 : i32
    %add3A_52 = arith.addi %add3A_50, %add3A_51 : i32
    %dma_start3A_53 = tpu.memref_slice %arg3[%add3A_52] : memref<640000xi32, #tpu.memory_space<hbm>> -> memref<80xi32, #tpu.memory_space<hbm>>
    %dma_start3A_54 = tpu.memref_slice %arg3[%add3A_52] : memref<640000xi32, #tpu.memory_space<hbm>> -> memref<80xi32, #tpu.memory_space<hbm>>
    tpu.enqueue_dma source(%dma_start3A_54 : memref<80xi32, #tpu.memory_space<hbm>>) target(%arg9 : memref<80xi32, #tpu.memory_space<vmem>>) target_semaphore(%arg16 : memref<!tpu.dma_semaphore, #tpu.memory_space<semaphore_mem>>)
    %dma_start3A_55 = arith.constant 160 : i32
    %dma_start3A_56 = tpu.memref_slice %arg6[%dma_start3A_55] : memref<10000xi32, #tpu.memory_space<vmem>> -> memref<80xi32, #tpu.memory_space<vmem>>
    %dma_start3A_57 = arith.constant 0 : i32
    %dma_start3A_58 = arith.constant 0 : i32
    %dma_start3A_59 = tpu.memref_slice %arg2[%dma_start3A_57, %dma_start3A_58] : memref<10000x128xf32, #tpu.memory_space<hbm>> -> memref<10000x128xf32, #tpu.memory_space<hbm>>
    tpu.enqueue_indirect_dma source(%dma_start3A_59 : memref<10000x128xf32, #tpu.memory_space<hbm>>) target(%arg12 : memref<80x128xf32, #tpu.memory_space<vmem>>) offsets(%dma_start3A_56 : memref<80xi32, #tpu.memory_space<vmem>>) semaphore(%arg19 : memref<!tpu.dma_semaphore, #tpu.memory_space<semaphore_mem>>)
    %scan3A = arith.constant 0 : i32
    %scan3A_60 = arith.constant 0 : i32
    %scan3A_61 = arith.constant 40 : i32
    %scan3A_62 = arith.addi %scan3A_60, %scan3A_61 : i32
    %scan3A_63 = arith.constant 1 : i32
    scf.for %scan3A_172 = %scan3A_60 to %scan3A_62 step %scan3A_63  : i32 {
      %mul3A_173 = arith.constant 3 : i32
      %mul3A_174 = arith.muli %mul3A_173, %scan3A_172 : i32
      %add3A_175 = arith.constant 1 : i32
      %add3A_176 = arith.addi %mul3A_174, %add3A_175 : i32
      %dma_wait3A_177 = arith.constant 0 : i32
      %dma_wait3A_178 = tpu.memref_slice %arg3[%dma_wait3A_177] : memref<640000xi32, #tpu.memory_space<hbm>> -> memref<80xi32, #tpu.memory_space<hbm>>
      %dma_wait3A_179 = arith.constant 0 : i32
      %dma_wait3A_180 = tpu.memref_slice %arg3[%dma_wait3A_179] : memref<640000xi32, #tpu.memory_space<hbm>> -> memref<80xi32, #tpu.memory_space<hbm>>
      tpu.wait_dma2 semaphore(%arg15 : memref<!tpu.dma_semaphore, #tpu.memory_space<semaphore_mem>>) src(%dma_wait3A_180 : memref<80xi32, #tpu.memory_space<hbm>>) dst(%arg8 : memref<80xi32, #tpu.memory_space<vmem>>)
      %dma_wait3A_181 = arith.constant 0 : i32
      %dma_wait3A_182 = arith.constant 0 : i32
      %dma_wait3A_183 = tpu.memref_slice %arg2[%dma_wait3A_181, %dma_wait3A_182] : memref<10000x128xf32, #tpu.memory_space<hbm>> -> memref<80x128xf32, #tpu.memory_space<hbm>>
      %dma_wait3A_184 = arith.constant 0 : i32
      %dma_wait3A_185 = arith.constant 0 : i32
      %dma_wait3A_186 = tpu.memref_slice %arg2[%dma_wait3A_184, %dma_wait3A_185] : memref<10000x128xf32, #tpu.memory_space<hbm>> -> memref<80x128xf32, #tpu.memory_space<hbm>>
      tpu.wait_dma2 semaphore(%arg18 : memref<!tpu.dma_semaphore, #tpu.memory_space<semaphore_mem>>) src(%dma_wait3A_186 : memref<80x128xf32, #tpu.memory_space<hbm>>) dst(%arg11 : memref<80x128xf32, #tpu.memory_space<vmem>>)
      %dma_start3A_187 = arith.constant 0 : i32
      %dma_start3A_188 = arith.constant 0 : i32
      %dma_start3A_189 = tpu.memref_slice %arg13[%dma_start3A_187, %dma_start3A_188] : memref<10240x128xf32, #tpu.memory_space<vmem_shared>> -> memref<10240x128xf32, #tpu.memory_space<vmem_shared>>
      tpu.enqueue_indirect_dma source(%arg11 : memref<80x128xf32, #tpu.memory_space<vmem>>) target(%dma_start3A_189 : memref<10240x128xf32, #tpu.memory_space<vmem_shared>>) offsets(%arg8 : memref<80xi32, #tpu.memory_space<vmem>>) semaphore(%arg21 : memref<!tpu.dma_semaphore, #tpu.memory_space<semaphore_mem>>) {add = true}
      %dma_wait3A_190 = arith.constant 0 : i32
      %dma_wait3A_191 = arith.constant 0 : i32
      %dma_wait3A_192 = tpu.memref_slice %arg13[%dma_wait3A_190, %dma_wait3A_191] : memref<10240x128xf32, #tpu.memory_space<vmem_shared>> -> memref<80x128xf32, #tpu.memory_space<vmem_shared>>
      %dma_wait3A_193 = arith.constant 0 : i32
      %dma_wait3A_194 = arith.constant 0 : i32
      %dma_wait3A_195 = tpu.memref_slice %arg13[%dma_wait3A_193, %dma_wait3A_194] : memref<10240x128xf32, #tpu.memory_space<vmem_shared>> -> memref<80x128xf32, #tpu.memory_space<vmem_shared>>
      tpu.wait_dma2 semaphore(%arg20 : memref<!tpu.dma_semaphore, #tpu.memory_space<semaphore_mem>>) src(%arg10 : memref<80x128xf32, #tpu.memory_space<vmem>>) dst(%dma_wait3A_195 : memref<80x128xf32, #tpu.memory_space<vmem_shared>>)
      %add3A_196 = arith.constant 2 : i32
      %add3A_197 = arith.addi %add3A_176, %add3A_196 : i32
      %add3A_198 = arith.constant 320000 : i32
      %add3A_199 = arith.addi %add3A_198, %mul3A_2 : i32
      %mul3A_200 = arith.constant 80 : i32
      %mul3A_201 = arith.muli %add3A_197, %mul3A_200 : i32
      %add3A_202 = arith.addi %add3A_199, %mul3A_201 : i32
      %dma_start3A_203 = tpu.memref_slice %arg3[%add3A_202] : memref<640000xi32, #tpu.memory_space<hbm>> -> memref<80xi32, #tpu.memory_space<hbm>>
      %dma_start3A_204 = tpu.memref_slice %arg3[%add3A_202] : memref<640000xi32, #tpu.memory_space<hbm>> -> memref<80xi32, #tpu.memory_space<hbm>>
      tpu.enqueue_dma source(%dma_start3A_204 : memref<80xi32, #tpu.memory_space<hbm>>) target(%arg7 : memref<80xi32, #tpu.memory_space<vmem>>) target_semaphore(%arg14 : memref<!tpu.dma_semaphore, #tpu.memory_space<semaphore_mem>>)
      %mul3A_205 = arith.constant 80 : i32
      %mul3A_206 = arith.muli %add3A_197, %mul3A_205 : i32
      %dma_start3A_207 = tpu.memref_slice %arg6[%mul3A_206] : memref<10000xi32, #tpu.memory_space<vmem>> -> memref<80xi32, #tpu.memory_space<vmem>>
      %dma_start3A_208 = arith.constant 0 : i32
      %dma_start3A_209 = arith.constant 0 : i32
      %dma_start3A_210 = tpu.memref_slice %arg2[%dma_start3A_208, %dma_start3A_209] : memref<10000x128xf32, #tpu.memory_space<hbm>> -> memref<10000x128xf32, #tpu.memory_space<hbm>>
      tpu.enqueue_indirect_dma source(%dma_start3A_210 : memref<10000x128xf32, #tpu.memory_space<hbm>>) target(%arg10 : memref<80x128xf32, #tpu.memory_space<vmem>>) offsets(%dma_start3A_207 : memref<80xi32, #tpu.memory_space<vmem>>) semaphore(%arg17 : memref<!tpu.dma_semaphore, #tpu.memory_space<semaphore_mem>>)
      %add3A_211 = arith.constant 1 : i32
      %add3A_212 = arith.addi %add3A_176, %add3A_211 : i32
      %dma_wait3A_213 = arith.constant 0 : i32
      %dma_wait3A_214 = tpu.memref_slice %arg3[%dma_wait3A_213] : memref<640000xi32, #tpu.memory_space<hbm>> -> memref<80xi32, #tpu.memory_space<hbm>>
      %dma_wait3A_215 = arith.constant 0 : i32
      %dma_wait3A_216 = tpu.memref_slice %arg3[%dma_wait3A_215] : memref<640000xi32, #tpu.memory_space<hbm>> -> memref<80xi32, #tpu.memory_space<hbm>>
      tpu.wait_dma2 semaphore(%arg16 : memref<!tpu.dma_semaphore, #tpu.memory_space<semaphore_mem>>) src(%dma_wait3A_216 : memref<80xi32, #tpu.memory_space<hbm>>) dst(%arg9 : memref<80xi32, #tpu.memory_space<vmem>>)
      %dma_wait3A_217 = arith.constant 0 : i32
      %dma_wait3A_218 = arith.constant 0 : i32
      %dma_wait3A_219 = tpu.memref_slice %arg2[%dma_wait3A_217, %dma_wait3A_218] : memref<10000x128xf32, #tpu.memory_space<hbm>> -> memref<80x128xf32, #tpu.memory_space<hbm>>
      %dma_wait3A_220 = arith.constant 0 : i32
      %dma_wait3A_221 = arith.constant 0 : i32
      %dma_wait3A_222 = tpu.memref_slice %arg2[%dma_wait3A_220, %dma_wait3A_221] : memref<10000x128xf32, #tpu.memory_space<hbm>> -> memref<80x128xf32, #tpu.memory_space<hbm>>
      tpu.wait_dma2 semaphore(%arg19 : memref<!tpu.dma_semaphore, #tpu.memory_space<semaphore_mem>>) src(%dma_wait3A_222 : memref<80x128xf32, #tpu.memory_space<hbm>>) dst(%arg12 : memref<80x128xf32, #tpu.memory_space<vmem>>)
      %dma_start3A_223 = arith.constant 0 : i32
      %dma_start3A_224 = arith.constant 0 : i32
      %dma_start3A_225 = tpu.memref_slice %arg13[%dma_start3A_223, %dma_start3A_224] : memref<10240x128xf32, #tpu.memory_space<vmem_shared>> -> memref<10240x128xf32, #tpu.memory_space<vmem_shared>>
      tpu.enqueue_indirect_dma source(%arg12 : memref<80x128xf32, #tpu.memory_space<vmem>>) target(%dma_start3A_225 : memref<10240x128xf32, #tpu.memory_space<vmem_shared>>) offsets(%arg9 : memref<80xi32, #tpu.memory_space<vmem>>) semaphore(%arg22 : memref<!tpu.dma_semaphore, #tpu.memory_space<semaphore_mem>>) {add = true}
      %dma_wait3A_226 = arith.constant 0 : i32
      %dma_wait3A_227 = arith.constant 0 : i32
      %dma_wait3A_228 = tpu.memref_slice %arg13[%dma_wait3A_226, %dma_wait3A_227] : memref<10240x128xf32, #tpu.memory_space<vmem_shared>> -> memref<80x128xf32, #tpu.memory_space<vmem_shared>>
      %dma_wait3A_229 = arith.constant 0 : i32
      %dma_wait3A_230 = arith.constant 0 : i32
      %dma_wait3A_231 = tpu.memref_slice %arg13[%dma_wait3A_229, %dma_wait3A_230] : memref<10240x128xf32, #tpu.memory_space<vmem_shared>> -> memref<80x128xf32, #tpu.memory_space<vmem_shared>>
      tpu.wait_dma2 semaphore(%arg21 : memref<!tpu.dma_semaphore, #tpu.memory_space<semaphore_mem>>) src(%arg11 : memref<80x128xf32, #tpu.memory_space<vmem>>) dst(%dma_wait3A_231 : memref<80x128xf32, #tpu.memory_space<vmem_shared>>)
      %add3A_232 = arith.constant 2 : i32
      %add3A_233 = arith.addi %add3A_212, %add3A_232 : i32
      %add3A_234 = arith.constant 320000 : i32
      %add3A_235 = arith.addi %add3A_234, %mul3A_2 : i32
      %mul3A_236 = arith.constant 80 : i32
      %mul3A_237 = arith.muli %add3A_233, %mul3A_236 : i32
      %add3A_238 = arith.addi %add3A_235, %mul3A_237 : i32
      %dma_start3A_239 = tpu.memref_slice %arg3[%add3A_238] : memref<640000xi32, #tpu.memory_space<hbm>> -> memref<80xi32, #tpu.memory_space<hbm>>
      %dma_start3A_240 = tpu.memref_slice %arg3[%add3A_238] : memref<640000xi32, #tpu.memory_space<hbm>> -> memref<80xi32, #tpu.memory_space<hbm>>
      tpu.enqueue_dma source(%dma_start3A_240 : memref<80xi32, #tpu.memory_space<hbm>>) target(%arg8 : memref<80xi32, #tpu.memory_space<vmem>>) target_semaphore(%arg15 : memref<!tpu.dma_semaphore, #tpu.memory_space<semaphore_mem>>)
      %mul3A_241 = arith.constant 80 : i32
      %mul3A_242 = arith.muli %add3A_233, %mul3A_241 : i32
      %dma_start3A_243 = tpu.memref_slice %arg6[%mul3A_242] : memref<10000xi32, #tpu.memory_space<vmem>> -> memref<80xi32, #tpu.memory_space<vmem>>
      %dma_start3A_244 = arith.constant 0 : i32
      %dma_start3A_245 = arith.constant 0 : i32
      %dma_start3A_246 = tpu.memref_slice %arg2[%dma_start3A_244, %dma_start3A_245] : memref<10000x128xf32, #tpu.memory_space<hbm>> -> memref<10000x128xf32, #tpu.memory_space<hbm>>
      tpu.enqueue_indirect_dma source(%dma_start3A_246 : memref<10000x128xf32, #tpu.memory_space<hbm>>) target(%arg11 : memref<80x128xf32, #tpu.memory_space<vmem>>) offsets(%dma_start3A_243 : memref<80xi32, #tpu.memory_space<vmem>>) semaphore(%arg18 : memref<!tpu.dma_semaphore, #tpu.memory_space<semaphore_mem>>)
      %add3A_247 = arith.constant 2 : i32
      %add3A_248 = arith.addi %add3A_176, %add3A_247 : i32
      %dma_wait3A_249 = arith.constant 0 : i32
      %dma_wait3A_250 = tpu.memref_slice %arg3[%dma_wait3A_249] : memref<640000xi32, #tpu.memory_space<hbm>> -> memref<80xi32, #tpu.memory_space<hbm>>
      %dma_wait3A_251 = arith.constant 0 : i32
      %dma_wait3A_252 = tpu.memref_slice %arg3[%dma_wait3A_251] : memref<640000xi32, #tpu.memory_space<hbm>> -> memref<80xi32, #tpu.memory_space<hbm>>
      tpu.wait_dma2 semaphore(%arg14 : memref<!tpu.dma_semaphore, #tpu.memory_space<semaphore_mem>>) src(%dma_wait3A_252 : memref<80xi32, #tpu.memory_space<hbm>>) dst(%arg7 : memref<80xi32, #tpu.memory_space<vmem>>)
      %dma_wait3A_253 = arith.constant 0 : i32
      %dma_wait3A_254 = arith.constant 0 : i32
      %dma_wait3A_255 = tpu.memref_slice %arg2[%dma_wait3A_253, %dma_wait3A_254] : memref<10000x128xf32, #tpu.memory_space<hbm>> -> memref<80x128xf32, #tpu.memory_space<hbm>>
      %dma_wait3A_256 = arith.constant 0 : i32
      %dma_wait3A_257 = arith.constant 0 : i32
      %dma_wait3A_258 = tpu.memref_slice %arg2[%dma_wait3A_256, %dma_wait3A_257] : memref<10000x128xf32, #tpu.memory_space<hbm>> -> memref<80x128xf32, #tpu.memory_space<hbm>>
      tpu.wait_dma2 semaphore(%arg17 : memref<!tpu.dma_semaphore, #tpu.memory_space<semaphore_mem>>) src(%dma_wait3A_258 : memref<80x128xf32, #tpu.memory_space<hbm>>) dst(%arg10 : memref<80x128xf32, #tpu.memory_space<vmem>>)
      %dma_start3A_259 = arith.constant 0 : i32
      %dma_start3A_260 = arith.constant 0 : i32
      %dma_start3A_261 = tpu.memref_slice %arg13[%dma_start3A_259, %dma_start3A_260] : memref<10240x128xf32, #tpu.memory_space<vmem_shared>> -> memref<10240x128xf32, #tpu.memory_space<vmem_shared>>
      tpu.enqueue_indirect_dma source(%arg10 : memref<80x128xf32, #tpu.memory_space<vmem>>) target(%dma_start3A_261 : memref<10240x128xf32, #tpu.memory_space<vmem_shared>>) offsets(%arg7 : memref<80xi32, #tpu.memory_space<vmem>>) semaphore(%arg20 : memref<!tpu.dma_semaphore, #tpu.memory_space<semaphore_mem>>) {add = true}
      %dma_wait3A_262 = arith.constant 0 : i32
      %dma_wait3A_263 = arith.constant 0 : i32
      %dma_wait3A_264 = tpu.memref_slice %arg13[%dma_wait3A_262, %dma_wait3A_263] : memref<10240x128xf32, #tpu.memory_space<vmem_shared>> -> memref<80x128xf32, #tpu.memory_space<vmem_shared>>
      %dma_wait3A_265 = arith.constant 0 : i32
      %dma_wait3A_266 = arith.constant 0 : i32
      %dma_wait3A_267 = tpu.memref_slice %arg13[%dma_wait3A_265, %dma_wait3A_266] : memref<10240x128xf32, #tpu.memory_space<vmem_shared>> -> memref<80x128xf32, #tpu.memory_space<vmem_shared>>
      tpu.wait_dma2 semaphore(%arg22 : memref<!tpu.dma_semaphore, #tpu.memory_space<semaphore_mem>>) src(%arg12 : memref<80x128xf32, #tpu.memory_space<vmem>>) dst(%dma_wait3A_267 : memref<80x128xf32, #tpu.memory_space<vmem_shared>>)
      %add3A_268 = arith.constant 2 : i32
      %add3A_269 = arith.addi %add3A_248, %add3A_268 : i32
      %add3A_270 = arith.constant 320000 : i32
      %add3A_271 = arith.addi %add3A_270, %mul3A_2 : i32
      %mul3A_272 = arith.constant 80 : i32
      %mul3A_273 = arith.muli %add3A_269, %mul3A_272 : i32
      %add3A_274 = arith.addi %add3A_271, %mul3A_273 : i32
      %dma_start3A_275 = tpu.memref_slice %arg3[%add3A_274] : memref<640000xi32, #tpu.memory_space<hbm>> -> memref<80xi32, #tpu.memory_space<hbm>>
      %dma_start3A_276 = tpu.memref_slice %arg3[%add3A_274] : memref<640000xi32, #tpu.memory_space<hbm>> -> memref<80xi32, #tpu.memory_space<hbm>>
      tpu.enqueue_dma source(%dma_start3A_276 : memref<80xi32, #tpu.memory_space<hbm>>) target(%arg9 : memref<80xi32, #tpu.memory_space<vmem>>) target_semaphore(%arg16 : memref<!tpu.dma_semaphore, #tpu.memory_space<semaphore_mem>>)
      %mul3A_277 = arith.constant 80 : i32
      %mul3A_278 = arith.muli %add3A_269, %mul3A_277 : i32
      %dma_start3A_279 = tpu.memref_slice %arg6[%mul3A_278] : memref<10000xi32, #tpu.memory_space<vmem>> -> memref<80xi32, #tpu.memory_space<vmem>>
      %dma_start3A_280 = arith.constant 0 : i32
      %dma_start3A_281 = arith.constant 0 : i32
      %dma_start3A_282 = tpu.memref_slice %arg2[%dma_start3A_280, %dma_start3A_281] : memref<10000x128xf32, #tpu.memory_space<hbm>> -> memref<10000x128xf32, #tpu.memory_space<hbm>>
      tpu.enqueue_indirect_dma source(%dma_start3A_282 : memref<10000x128xf32, #tpu.memory_space<hbm>>) target(%arg12 : memref<80x128xf32, #tpu.memory_space<vmem>>) offsets(%dma_start3A_279 : memref<80xi32, #tpu.memory_space<vmem>>) semaphore(%arg19 : memref<!tpu.dma_semaphore, #tpu.memory_space<semaphore_mem>>)
    }
    %scan3A_64 = arith.constant 40 : i32
    %dma_wait3A_65 = arith.constant 0 : i32
    %dma_wait3A_66 = tpu.memref_slice %arg3[%dma_wait3A_65] : memref<640000xi32, #tpu.memory_space<hbm>> -> memref<80xi32, #tpu.memory_space<hbm>>
    %dma_wait3A_67 = arith.constant 0 : i32
    %dma_wait3A_68 = tpu.memref_slice %arg3[%dma_wait3A_67] : memref<640000xi32, #tpu.memory_space<hbm>> -> memref<80xi32, #tpu.memory_space<hbm>>
    tpu.wait_dma2 semaphore(%arg15 : memref<!tpu.dma_semaphore, #tpu.memory_space<semaphore_mem>>) src(%dma_wait3A_68 : memref<80xi32, #tpu.memory_space<hbm>>) dst(%arg8 : memref<80xi32, #tpu.memory_space<vmem>>)
    %dma_wait3A_69 = arith.constant 0 : i32
    %dma_wait3A_70 = arith.constant 0 : i32
    %dma_wait3A_71 = tpu.memref_slice %arg2[%dma_wait3A_69, %dma_wait3A_70] : memref<10000x128xf32, #tpu.memory_space<hbm>> -> memref<80x128xf32, #tpu.memory_space<hbm>>
    %dma_wait3A_72 = arith.constant 0 : i32
    %dma_wait3A_73 = arith.constant 0 : i32
    %dma_wait3A_74 = tpu.memref_slice %arg2[%dma_wait3A_72, %dma_wait3A_73] : memref<10000x128xf32, #tpu.memory_space<hbm>> -> memref<80x128xf32, #tpu.memory_space<hbm>>
    tpu.wait_dma2 semaphore(%arg18 : memref<!tpu.dma_semaphore, #tpu.memory_space<semaphore_mem>>) src(%dma_wait3A_74 : memref<80x128xf32, #tpu.memory_space<hbm>>) dst(%arg11 : memref<80x128xf32, #tpu.memory_space<vmem>>)
    %dma_start3A_75 = arith.constant 0 : i32
    %dma_start3A_76 = arith.constant 0 : i32
    %dma_start3A_77 = tpu.memref_slice %arg13[%dma_start3A_75, %dma_start3A_76] : memref<10240x128xf32, #tpu.memory_space<vmem_shared>> -> memref<10240x128xf32, #tpu.memory_space<vmem_shared>>
    tpu.enqueue_indirect_dma source(%arg11 : memref<80x128xf32, #tpu.memory_space<vmem>>) target(%dma_start3A_77 : memref<10240x128xf32, #tpu.memory_space<vmem_shared>>) offsets(%arg8 : memref<80xi32, #tpu.memory_space<vmem>>) semaphore(%arg21 : memref<!tpu.dma_semaphore, #tpu.memory_space<semaphore_mem>>) {add = true}
    %dma_wait3A_78 = arith.constant 0 : i32
    %dma_wait3A_79 = arith.constant 0 : i32
    %dma_wait3A_80 = tpu.memref_slice %arg13[%dma_wait3A_78, %dma_wait3A_79] : memref<10240x128xf32, #tpu.memory_space<vmem_shared>> -> memref<80x128xf32, #tpu.memory_space<vmem_shared>>
    %dma_wait3A_81 = arith.constant 0 : i32
    %dma_wait3A_82 = arith.constant 0 : i32
    %dma_wait3A_83 = tpu.memref_slice %arg13[%dma_wait3A_81, %dma_wait3A_82] : memref<10240x128xf32, #tpu.memory_space<vmem_shared>> -> memref<80x128xf32, #tpu.memory_space<vmem_shared>>
    tpu.wait_dma2 semaphore(%arg20 : memref<!tpu.dma_semaphore, #tpu.memory_space<semaphore_mem>>) src(%arg10 : memref<80x128xf32, #tpu.memory_space<vmem>>) dst(%dma_wait3A_83 : memref<80x128xf32, #tpu.memory_space<vmem_shared>>)
    %add3A_84 = arith.constant 320000 : i32
    %add3A_85 = arith.addi %add3A_84, %mul3A_2 : i32
    %add3A_86 = arith.constant 9840 : i32
    %add3A_87 = arith.addi %add3A_85, %add3A_86 : i32
    %dma_start3A_88 = tpu.memref_slice %arg3[%add3A_87] : memref<640000xi32, #tpu.memory_space<hbm>> -> memref<80xi32, #tpu.memory_space<hbm>>
    %dma_start3A_89 = tpu.memref_slice %arg3[%add3A_87] : memref<640000xi32, #tpu.memory_space<hbm>> -> memref<80xi32, #tpu.memory_space<hbm>>
    tpu.enqueue_dma source(%dma_start3A_89 : memref<80xi32, #tpu.memory_space<hbm>>) target(%arg7 : memref<80xi32, #tpu.memory_space<vmem>>) target_semaphore(%arg14 : memref<!tpu.dma_semaphore, #tpu.memory_space<semaphore_mem>>)
    %dma_start3A_90 = arith.constant 9840 : i32
    %dma_start3A_91 = tpu.memref_slice %arg6[%dma_start3A_90] : memref<10000xi32, #tpu.memory_space<vmem>> -> memref<80xi32, #tpu.memory_space<vmem>>
    %dma_start3A_92 = arith.constant 0 : i32
    %dma_start3A_93 = arith.constant 0 : i32
    %dma_start3A_94 = tpu.memref_slice %arg2[%dma_start3A_92, %dma_start3A_93] : memref<10000x128xf32, #tpu.memory_space<hbm>> -> memref<10000x128xf32, #tpu.memory_space<hbm>>
    tpu.enqueue_indirect_dma source(%dma_start3A_94 : memref<10000x128xf32, #tpu.memory_space<hbm>>) target(%arg10 : memref<80x128xf32, #tpu.memory_space<vmem>>) offsets(%dma_start3A_91 : memref<80xi32, #tpu.memory_space<vmem>>) semaphore(%arg17 : memref<!tpu.dma_semaphore, #tpu.memory_space<semaphore_mem>>)
    %dma_wait3A_95 = arith.constant 0 : i32
    %dma_wait3A_96 = tpu.memref_slice %arg3[%dma_wait3A_95] : memref<640000xi32, #tpu.memory_space<hbm>> -> memref<80xi32, #tpu.memory_space<hbm>>
    %dma_wait3A_97 = arith.constant 0 : i32
    %dma_wait3A_98 = tpu.memref_slice %arg3[%dma_wait3A_97] : memref<640000xi32, #tpu.memory_space<hbm>> -> memref<80xi32, #tpu.memory_space<hbm>>
    tpu.wait_dma2 semaphore(%arg16 : memref<!tpu.dma_semaphore, #tpu.memory_space<semaphore_mem>>) src(%dma_wait3A_98 : memref<80xi32, #tpu.memory_space<hbm>>) dst(%arg9 : memref<80xi32, #tpu.memory_space<vmem>>)
    %dma_wait3A_99 = arith.constant 0 : i32
    %dma_wait3A_100 = arith.constant 0 : i32
    %dma_wait3A_101 = tpu.memref_slice %arg2[%dma_wait3A_99, %dma_wait3A_100] : memref<10000x128xf32, #tpu.memory_space<hbm>> -> memref<80x128xf32, #tpu.memory_space<hbm>>
    %dma_wait3A_102 = arith.constant 0 : i32
    %dma_wait3A_103 = arith.constant 0 : i32
    %dma_wait3A_104 = tpu.memref_slice %arg2[%dma_wait3A_102, %dma_wait3A_103] : memref<10000x128xf32, #tpu.memory_space<hbm>> -> memref<80x128xf32, #tpu.memory_space<hbm>>
    tpu.wait_dma2 semaphore(%arg19 : memref<!tpu.dma_semaphore, #tpu.memory_space<semaphore_mem>>) src(%dma_wait3A_104 : memref<80x128xf32, #tpu.memory_space<hbm>>) dst(%arg12 : memref<80x128xf32, #tpu.memory_space<vmem>>)
    %dma_start3A_105 = arith.constant 0 : i32
    %dma_start3A_106 = arith.constant 0 : i32
    %dma_start3A_107 = tpu.memref_slice %arg13[%dma_start3A_105, %dma_start3A_106] : memref<10240x128xf32, #tpu.memory_space<vmem_shared>> -> memref<10240x128xf32, #tpu.memory_space<vmem_shared>>
    tpu.enqueue_indirect_dma source(%arg12 : memref<80x128xf32, #tpu.memory_space<vmem>>) target(%dma_start3A_107 : memref<10240x128xf32, #tpu.memory_space<vmem_shared>>) offsets(%arg9 : memref<80xi32, #tpu.memory_space<vmem>>) semaphore(%arg22 : memref<!tpu.dma_semaphore, #tpu.memory_space<semaphore_mem>>) {add = true}
    %dma_wait3A_108 = arith.constant 0 : i32
    %dma_wait3A_109 = arith.constant 0 : i32
    %dma_wait3A_110 = tpu.memref_slice %arg13[%dma_wait3A_108, %dma_wait3A_109] : memref<10240x128xf32, #tpu.memory_space<vmem_shared>> -> memref<80x128xf32, #tpu.memory_space<vmem_shared>>
    %dma_wait3A_111 = arith.constant 0 : i32
    %dma_wait3A_112 = arith.constant 0 : i32
    %dma_wait3A_113 = tpu.memref_slice %arg13[%dma_wait3A_111, %dma_wait3A_112] : memref<10240x128xf32, #tpu.memory_space<vmem_shared>> -> memref<80x128xf32, #tpu.memory_space<vmem_shared>>
    tpu.wait_dma2 semaphore(%arg21 : memref<!tpu.dma_semaphore, #tpu.memory_space<semaphore_mem>>) src(%arg11 : memref<80x128xf32, #tpu.memory_space<vmem>>) dst(%dma_wait3A_113 : memref<80x128xf32, #tpu.memory_space<vmem_shared>>)
    %add3A_114 = arith.constant 320000 : i32
    %add3A_115 = arith.addi %add3A_114, %mul3A_2 : i32
    %add3A_116 = arith.constant 9920 : i32
    %add3A_117 = arith.addi %add3A_115, %add3A_116 : i32
    %dma_start3A_118 = tpu.memref_slice %arg3[%add3A_117] : memref<640000xi32, #tpu.memory_space<hbm>> -> memref<80xi32, #tpu.memory_space<hbm>>
    %dma_start3A_119 = tpu.memref_slice %arg3[%add3A_117] : memref<640000xi32, #tpu.memory_space<hbm>> -> memref<80xi32, #tpu.memory_space<hbm>>
    tpu.enqueue_dma source(%dma_start3A_119 : memref<80xi32, #tpu.memory_space<hbm>>) target(%arg8 : memref<80xi32, #tpu.memory_space<vmem>>) target_semaphore(%arg15 : memref<!tpu.dma_semaphore, #tpu.memory_space<semaphore_mem>>)
    %dma_start3A_120 = arith.constant 9920 : i32
    %dma_start3A_121 = tpu.memref_slice %arg6[%dma_start3A_120] : memref<10000xi32, #tpu.memory_space<vmem>> -> memref<80xi32, #tpu.memory_space<vmem>>
    %dma_start3A_122 = arith.constant 0 : i32
    %dma_start3A_123 = arith.constant 0 : i32
    %dma_start3A_124 = tpu.memref_slice %arg2[%dma_start3A_122, %dma_start3A_123] : memref<10000x128xf32, #tpu.memory_space<hbm>> -> memref<10000x128xf32, #tpu.memory_space<hbm>>
    tpu.enqueue_indirect_dma source(%dma_start3A_124 : memref<10000x128xf32, #tpu.memory_space<hbm>>) target(%arg11 : memref<80x128xf32, #tpu.memory_space<vmem>>) offsets(%dma_start3A_121 : memref<80xi32, #tpu.memory_space<vmem>>) semaphore(%arg18 : memref<!tpu.dma_semaphore, #tpu.memory_space<semaphore_mem>>)
    %dma_wait3A_125 = arith.constant 0 : i32
    %dma_wait3A_126 = tpu.memref_slice %arg3[%dma_wait3A_125] : memref<640000xi32, #tpu.memory_space<hbm>> -> memref<80xi32, #tpu.memory_space<hbm>>
    %dma_wait3A_127 = arith.constant 0 : i32
    %dma_wait3A_128 = tpu.memref_slice %arg3[%dma_wait3A_127] : memref<640000xi32, #tpu.memory_space<hbm>> -> memref<80xi32, #tpu.memory_space<hbm>>
    tpu.wait_dma2 semaphore(%arg14 : memref<!tpu.dma_semaphore, #tpu.memory_space<semaphore_mem>>) src(%dma_wait3A_128 : memref<80xi32, #tpu.memory_space<hbm>>) dst(%arg7 : memref<80xi32, #tpu.memory_space<vmem>>)
    %dma_wait3A_129 = arith.constant 0 : i32
    %dma_wait3A_130 = arith.constant 0 : i32
    %dma_wait3A_131 = tpu.memref_slice %arg2[%dma_wait3A_129, %dma_wait3A_130] : memref<10000x128xf32, #tpu.memory_space<hbm>> -> memref<80x128xf32, #tpu.memory_space<hbm>>
    %dma_wait3A_132 = arith.constant 0 : i32
    %dma_wait3A_133 = arith.constant 0 : i32
    %dma_wait3A_134 = tpu.memref_slice %arg2[%dma_wait3A_132, %dma_wait3A_133] : memref<10000x128xf32, #tpu.memory_space<hbm>> -> memref<80x128xf32, #tpu.memory_space<hbm>>
    tpu.wait_dma2 semaphore(%arg17 : memref<!tpu.dma_semaphore, #tpu.memory_space<semaphore_mem>>) src(%dma_wait3A_134 : memref<80x128xf32, #tpu.memory_space<hbm>>) dst(%arg10 : memref<80x128xf32, #tpu.memory_space<vmem>>)
    %dma_start3A_135 = arith.constant 0 : i32
    %dma_start3A_136 = arith.constant 0 : i32
    %dma_start3A_137 = tpu.memref_slice %arg13[%dma_start3A_135, %dma_start3A_136] : memref<10240x128xf32, #tpu.memory_space<vmem_shared>> -> memref<10240x128xf32, #tpu.memory_space<vmem_shared>>
    tpu.enqueue_indirect_dma source(%arg10 : memref<80x128xf32, #tpu.memory_space<vmem>>) target(%dma_start3A_137 : memref<10240x128xf32, #tpu.memory_space<vmem_shared>>) offsets(%arg7 : memref<80xi32, #tpu.memory_space<vmem>>) semaphore(%arg20 : memref<!tpu.dma_semaphore, #tpu.memory_space<semaphore_mem>>) {add = true}
    %dma_wait3A_138 = arith.constant 0 : i32
    %dma_wait3A_139 = arith.constant 0 : i32
    %dma_wait3A_140 = tpu.memref_slice %arg13[%dma_wait3A_138, %dma_wait3A_139] : memref<10240x128xf32, #tpu.memory_space<vmem_shared>> -> memref<80x128xf32, #tpu.memory_space<vmem_shared>>
    %dma_wait3A_141 = arith.constant 0 : i32
    %dma_wait3A_142 = arith.constant 0 : i32
    %dma_wait3A_143 = tpu.memref_slice %arg13[%dma_wait3A_141, %dma_wait3A_142] : memref<10240x128xf32, #tpu.memory_space<vmem_shared>> -> memref<80x128xf32, #tpu.memory_space<vmem_shared>>
    tpu.wait_dma2 semaphore(%arg22 : memref<!tpu.dma_semaphore, #tpu.memory_space<semaphore_mem>>) src(%arg12 : memref<80x128xf32, #tpu.memory_space<vmem>>) dst(%dma_wait3A_143 : memref<80x128xf32, #tpu.memory_space<vmem_shared>>)
    %dma_wait3A_144 = arith.constant 0 : i32
    %dma_wait3A_145 = tpu.memref_slice %arg3[%dma_wait3A_144] : memref<640000xi32, #tpu.memory_space<hbm>> -> memref<80xi32, #tpu.memory_space<hbm>>
    %dma_wait3A_146 = arith.constant 0 : i32
    %dma_wait3A_147 = tpu.memref_slice %arg3[%dma_wait3A_146] : memref<640000xi32, #tpu.memory_space<hbm>> -> memref<80xi32, #tpu.memory_space<hbm>>
    tpu.wait_dma2 semaphore(%arg15 : memref<!tpu.dma_semaphore, #tpu.memory_space<semaphore_mem>>) src(%dma_wait3A_147 : memref<80xi32, #tpu.memory_space<hbm>>) dst(%arg8 : memref<80xi32, #tpu.memory_space<vmem>>)
    %dma_wait3A_148 = arith.constant 0 : i32
    %dma_wait3A_149 = arith.constant 0 : i32
    %dma_wait3A_150 = tpu.memref_slice %arg2[%dma_wait3A_148, %dma_wait3A_149] : memref<10000x128xf32, #tpu.memory_space<hbm>> -> memref<80x128xf32, #tpu.memory_space<hbm>>
    %dma_wait3A_151 = arith.constant 0 : i32
    %dma_wait3A_152 = arith.constant 0 : i32
    %dma_wait3A_153 = tpu.memref_slice %arg2[%dma_wait3A_151, %dma_wait3A_152] : memref<10000x128xf32, #tpu.memory_space<hbm>> -> memref<80x128xf32, #tpu.memory_space<hbm>>
    tpu.wait_dma2 semaphore(%arg18 : memref<!tpu.dma_semaphore, #tpu.memory_space<semaphore_mem>>) src(%dma_wait3A_153 : memref<80x128xf32, #tpu.memory_space<hbm>>) dst(%arg11 : memref<80x128xf32, #tpu.memory_space<vmem>>)
    %dma_start3A_154 = arith.constant 0 : i32
    %dma_start3A_155 = arith.constant 0 : i32
    %dma_start3A_156 = tpu.memref_slice %arg13[%dma_start3A_154, %dma_start3A_155] : memref<10240x128xf32, #tpu.memory_space<vmem_shared>> -> memref<10240x128xf32, #tpu.memory_space<vmem_shared>>
    tpu.enqueue_indirect_dma source(%arg11 : memref<80x128xf32, #tpu.memory_space<vmem>>) target(%dma_start3A_156 : memref<10240x128xf32, #tpu.memory_space<vmem_shared>>) offsets(%arg8 : memref<80xi32, #tpu.memory_space<vmem>>) semaphore(%arg21 : memref<!tpu.dma_semaphore, #tpu.memory_space<semaphore_mem>>) {add = true}
    %dma_wait3A_157 = arith.constant 0 : i32
    %dma_wait3A_158 = arith.constant 0 : i32
    %dma_wait3A_159 = tpu.memref_slice %arg13[%dma_wait3A_157, %dma_wait3A_158] : memref<10240x128xf32, #tpu.memory_space<vmem_shared>> -> memref<80x128xf32, #tpu.memory_space<vmem_shared>>
    %dma_wait3A_160 = arith.constant 0 : i32
    %dma_wait3A_161 = arith.constant 0 : i32
    %dma_wait3A_162 = tpu.memref_slice %arg13[%dma_wait3A_160, %dma_wait3A_161] : memref<10240x128xf32, #tpu.memory_space<vmem_shared>> -> memref<80x128xf32, #tpu.memory_space<vmem_shared>>
    tpu.wait_dma2 semaphore(%arg20 : memref<!tpu.dma_semaphore, #tpu.memory_space<semaphore_mem>>) src(%arg10 : memref<80x128xf32, #tpu.memory_space<vmem>>) dst(%dma_wait3A_162 : memref<80x128xf32, #tpu.memory_space<vmem_shared>>)
    %dma_wait3A_163 = arith.constant 0 : i32
    %dma_wait3A_164 = arith.constant 0 : i32
    %dma_wait3A_165 = tpu.memref_slice %arg13[%dma_wait3A_163, %dma_wait3A_164] : memref<10240x128xf32, #tpu.memory_space<vmem_shared>> -> memref<80x128xf32, #tpu.memory_space<vmem_shared>>
    %dma_wait3A_166 = arith.constant 0 : i32
    %dma_wait3A_167 = arith.constant 0 : i32
    %dma_wait3A_168 = tpu.memref_slice %arg13[%dma_wait3A_166, %dma_wait3A_167] : memref<10240x128xf32, #tpu.memory_space<vmem_shared>> -> memref<80x128xf32, #tpu.memory_space<vmem_shared>>
    tpu.wait_dma2 semaphore(%arg21 : memref<!tpu.dma_semaphore, #tpu.memory_space<semaphore_mem>>) src(%arg11 : memref<80x128xf32, #tpu.memory_space<vmem>>) dst(%dma_wait3A_168 : memref<80x128xf32, #tpu.memory_space<vmem_shared>>)
    %barrier3A_169 = arith.constant 0 : index
    tpu.barrier barrier_id(%barrier3A_169)
    %mul3A_170 = arith.constant 640 : i32
    %mul3A_171 = arith.muli %arg1, %mul3A_170 : i32
    "tpu.region"() ({
      %run_scoped3A = tpu.sem_alloc : memref<!tpu.dma_semaphore, #tpu.memory_space<semaphore_mem>>
      %dma_start3A_172 = arith.constant 0 : i32
      %dma_start3A_173 = tpu.memref_slice %arg5[%arg0, %mul3A_171, %dma_start3A_172] : memref<2x10240x128xf32, #tpu.memory_space<hbm>> -> memref<1x640x128xf32, #tpu.memory_space<hbm>>
      %dma_start3A_174 = tpu.memref_squeeze %dma_start3A_173 : memref<1x640x128xf32, #tpu.memory_space<hbm>> -> memref<640x128xf32, #tpu.memory_space<hbm>>
      %dma_start3A_175 = arith.constant 0 : i32
      %dma_start3A_176 = tpu.memref_slice %arg13[%mul3A_171, %dma_start3A_175] : memref<10240x128xf32, #tpu.memory_space<vmem_shared>> -> memref<640x128xf32, #tpu.memory_space<vmem_shared>>
      tpu.enqueue_dma source(%dma_start3A_176 : memref<640x128xf32, #tpu.memory_space<vmem_shared>>) target(%dma_start3A_174 : memref<640x128xf32, #tpu.memory_space<hbm>>) target_semaphore(%run_scoped3A : memref<!tpu.dma_semaphore, #tpu.memory_space<semaphore_mem>>)
      %dma_wait3A_177 = arith.constant 0 : i32
      %dma_wait3A_178 = tpu.memref_slice %arg5[%arg0, %mul3A_171, %dma_wait3A_177] : memref<2x10240x128xf32, #tpu.memory_space<hbm>> -> memref<1x640x128xf32, #tpu.memory_space<hbm>>
      %dma_wait3A_179 = tpu.memref_squeeze %dma_wait3A_178 : memref<1x640x128xf32, #tpu.memory_space<hbm>> -> memref<640x128xf32, #tpu.memory_space<hbm>>
      %dma_wait3A_180 = arith.constant 0 : i32
      %dma_wait3A_181 = tpu.memref_slice %arg13[%mul3A_171, %dma_wait3A_180] : memref<10240x128xf32, #tpu.memory_space<vmem_shared>> -> memref<640x128xf32, #tpu.memory_space<vmem_shared>>
      tpu.wait_dma2 semaphore(%run_scoped3A : memref<!tpu.dma_semaphore, #tpu.memory_space<semaphore_mem>>) src(%dma_wait3A_181 : memref<640x128xf32, #tpu.memory_space<vmem_shared>>) dst(%dma_wait3A_179 : memref<640x128xf32, #tpu.memory_space<hbm>>)
      tpu.yield
    }) : () -> ()
    return
  }
}

module attributes {stable_mosaic.version = 14 : i64} {
  func.func @_mlp_body(%arg0: i32, %arg1: memref<1xf32, #tpu.memory_space<smem>>, %arg2: memref<2000x128xf32, #tpu.memory_space<vmem>>, %arg3: memref<2x2000x128xf32, #tpu.memory_space<vmem>>, %arg4: memref<128x128xbf16, #tpu.memory_space<vmem>>, %arg5: memref<1x128xf32, #tpu.memory_space<vmem>>, %arg6: memref<128x128xbf16, #tpu.memory_space<vmem>>, %arg7: memref<1x128xf32, #tpu.memory_space<vmem>>, %arg8: memref<2000x128xf32, #tpu.memory_space<vmem>>) attributes {dimension_semantics = [#tpu.dimension_semantics<arbitrary>], iteration_bounds = array<i64: 5>, scalar_prefetch = 0 : i64, scratch_operands = 0 : i64, tpu.core_type = #tpu.core_type<tc>, window_params = [{transform_indices = @transform_0, window_bounds = array<i64: 1>}, {transform_indices = @transform_1, window_bounds = array<i64: 2000, 128>}, {transform_indices = @transform_2, window_bounds = array<i64: 2, 2000, 128>}, {pipeline_mode = #tpu.pipeline_mode<synchronous>, transform_indices = @transform_3, window_bounds = array<i64: 128, 128>}, {pipeline_mode = #tpu.pipeline_mode<synchronous>, transform_indices = @transform_4, window_bounds = array<i64: 1, 128>}, {pipeline_mode = #tpu.pipeline_mode<synchronous>, transform_indices = @transform_5, window_bounds = array<i64: 128, 128>}, {pipeline_mode = #tpu.pipeline_mode<synchronous>, transform_indices = @transform_6, window_bounds = array<i64: 1, 128>}, {transform_indices = @transform_7, window_bounds = array<i64: 2000, 128>}]} {
    %get3A = arith.constant 0 : index
    %get3A_0 = memref.load %arg1[%get3A] : memref<1xf32, #tpu.memory_space<smem>>
    %get3A_1 = arith.constant 0 : index
    %get3A_2 = arith.constant 0 : index
    %get3A_3 = vector.load %arg2[%get3A_1, %get3A_2] : memref<2000x128xf32, #tpu.memory_space<vmem>>, vector<2000x128xf32>
    %mul3A = vector.broadcast %get3A_0 : f32 to vector<2000x128xf32>
    %mul3A_4 = arith.mulf %mul3A, %get3A_3 : vector<2000x128xf32>
    %get3A_5 = arith.constant 0 : index
    %get3A_6 = arith.constant 0 : index
    %get3A_7 = arith.constant 0 : index
    %get3A_8 = vector.load %arg3[%get3A_5, %get3A_6, %get3A_7] : memref<2x2000x128xf32, #tpu.memory_space<vmem>>, vector<1x2000x128xf32>
    %get3A_9 = vector.shape_cast %get3A_8 : vector<1x2000x128xf32> to vector<2000x128xf32>
    %add3A = arith.addf %mul3A_4, %get3A_9 : vector<2000x128xf32>
    %get3A_10 = arith.constant 1 : index
    %get3A_11 = arith.constant 0 : index
    %get3A_12 = arith.constant 0 : index
    %get3A_13 = vector.load %arg3[%get3A_10, %get3A_11, %get3A_12] : memref<2x2000x128xf32, #tpu.memory_space<vmem>>, vector<1x2000x128xf32>
    %get3A_14 = vector.shape_cast %get3A_13 : vector<1x2000x128xf32> to vector<2000x128xf32>
    %add3A_15 = arith.addf %add3A, %get3A_14 : vector<2000x128xf32>
    %convert_element_type3A = arith.truncf %add3A_15 : vector<2000x128xf32> to vector<2000x128xbf16>
    %get3A_16 = arith.constant 0 : index
    %get3A_17 = arith.constant 0 : index
    %get3A_18 = vector.load %arg4[%get3A_16, %get3A_17] : memref<128x128xbf16, #tpu.memory_space<vmem>>, vector<128x128xbf16>
    %dot_general3A = arith.constant dense<0.000000e+00> : vector<2000x128xf32>
    %dot_general3A_19 = tpu.matmul %convert_element_type3A, %get3A_18, %dot_general3A {dimension_numbers = #tpu.dot_dimension_numbers<[1], [0], [0], [1], [0, 0, 1, 1], [], []>, transpose_lhs_hint = false} : vector<2000x128xbf16>, vector<128x128xbf16>, vector<2000x128xf32> -> vector<2000x128xf32>
    %get3A_20 = arith.constant 0 : index
    %get3A_21 = arith.constant 0 : index
    %get3A_22 = vector.load %arg5[%get3A_20, %get3A_21] : memref<1x128xf32, #tpu.memory_space<vmem>>, vector<1x128xf32>
    %add3A_23 = vector.broadcast %get3A_22 : vector<1x128xf32> to vector<2000x128xf32>
    %add3A_24 = arith.addf %dot_general3A_19, %add3A_23 : vector<2000x128xf32>
    %max3A = arith.constant 0.000000e+00 : f32
    %max3A_25 = vector.broadcast %max3A : f32 to vector<2000x128xf32>
    %max3A_26 = arith.maximumf %add3A_24, %max3A_25 : vector<2000x128xf32>
    %convert_element_type3A_27 = arith.truncf %max3A_26 : vector<2000x128xf32> to vector<2000x128xbf16>
    %get3A_28 = arith.constant 0 : index
    %get3A_29 = arith.constant 0 : index
    %get3A_30 = vector.load %arg6[%get3A_28, %get3A_29] : memref<128x128xbf16, #tpu.memory_space<vmem>>, vector<128x128xbf16>
    %dot_general3A_31 = arith.constant dense<0.000000e+00> : vector<2000x128xf32>
    %dot_general3A_32 = tpu.matmul %convert_element_type3A_27, %get3A_30, %dot_general3A_31 {dimension_numbers = #tpu.dot_dimension_numbers<[1], [0], [0], [1], [0, 0, 1, 1], [], []>, transpose_lhs_hint = false} : vector<2000x128xbf16>, vector<128x128xbf16>, vector<2000x128xf32> -> vector<2000x128xf32>
    %get3A_33 = arith.constant 0 : index
    %get3A_34 = arith.constant 0 : index
    %get3A_35 = vector.load %arg7[%get3A_33, %get3A_34] : memref<1x128xf32, #tpu.memory_space<vmem>>, vector<1x128xf32>
    %add3A_36 = vector.broadcast %get3A_35 : vector<1x128xf32> to vector<2000x128xf32>
    %add3A_37 = arith.addf %dot_general3A_32, %add3A_36 : vector<2000x128xf32>
    %swap3A = arith.constant 0 : index
    %swap3A_38 = arith.constant 0 : index
    %swap3A_39 = vector.load %arg8[%swap3A, %swap3A_38] : memref<2000x128xf32, #tpu.memory_space<vmem>>, vector<2000x128xf32>
    tpu.vector_store %arg8[%swap3A, %swap3A_38], %add3A_37 {strides = array<i32>} : memref<2000x128xf32, #tpu.memory_space<vmem>>, vector<2000x128xf32>,
    return
  }
  func.func @transform_0(%arg0: i32) -> i32 {
    %c0_i32 = arith.constant 0 : i32
    %c0_i32_0 = arith.constant 0 : i32
    return %c0_i32 : i32
  }
  func.func @transform_1(%arg0: i32) -> (i32, i32) {
    %c0_i32 = arith.constant 0 : i32
    %c0_i32_0 = arith.constant 0 : i32
    return %arg0, %c0_i32 : i32, i32
  }
  func.func @transform_2(%arg0: i32) -> (i32, i32, i32) {
    %c0_i32 = arith.constant 0 : i32
    %c0_i32_0 = arith.constant 0 : i32
    %c0_i32_1 = arith.constant 0 : i32
    return %c0_i32, %arg0, %c0_i32_0 : i32, i32, i32
  }
  func.func @transform_3(%arg0: i32) -> (i32, i32) {
    %c0_i32 = arith.constant 0 : i32
    %c0_i32_0 = arith.constant 0 : i32
    %c0_i32_1 = arith.constant 0 : i32
    return %c0_i32, %c0_i32_0 : i32, i32
  }
  func.func @transform_4(%arg0: i32) -> (i32, i32) {
    %c0_i32 = arith.constant 0 : i32
    %c0_i32_0 = arith.constant 0 : i32
    %c0_i32_1 = arith.constant 0 : i32
    return %c0_i32, %c0_i32_0 : i32, i32
  }
  func.func @transform_5(%arg0: i32) -> (i32, i32) {
    %c0_i32 = arith.constant 0 : i32
    %c0_i32_0 = arith.constant 0 : i32
    %c0_i32_1 = arith.constant 0 : i32
    return %c0_i32, %c0_i32_0 : i32, i32
  }
  func.func @transform_6(%arg0: i32) -> (i32, i32) {
    %c0_i32 = arith.constant 0 : i32
    %c0_i32_0 = arith.constant 0 : i32
    %c0_i32_1 = arith.constant 0 : i32
    return %c0_i32, %c0_i32_0 : i32, i32
  }
  func.func @transform_7(%arg0: i32) -> (i32, i32) {
    %c0_i32 = arith.constant 0 : i32
    %c0_i32_0 = arith.constant 0 : i32
    return %arg0, %c0_i32 : i32, i32
  }
}

</mosaic_0001>

<sc_bundles>
// kernel: kernel.4.cloned.1.call-start
scs
__scs_entry_jumppad:
0x0: {  	(pc) =	sbr.rel $0x88, $3  }
0x1: {  	(tag) =	ssettag $0x0;
	lr =	simm.s32 $0x1  }
0x2: {  	[smem:$0x3F9A] =	sst lr;
	_ =	strace $0xD0000000  }
0x3: {  	_ = 	snop  }
0x4: {  	_ = 	snop  }
0x5: {  	_ = 	snop  }
0x6: {  	_ = 	snop  }
0x7: {  	_ = 	snop  }
__scs_overlays_trampoline_lowered:
0x8: {  	[smem:$0x3FA9] =	sst s0  }
0x9: {  	[smem:$0x3FAA] =	sst s1  }
0xa: {  	[smem:$0x3FAB] =	sst s2  }
0xb: {  	[smem:$0x3FAC] =	sst s3  }
0xc: {  	[smem:$0x3FAD] =	sst s4  }
0xd: {  	[smem:$0x3FAE] =	sst s5  }
0xe: {  	[smem:$0x3FAF] =	sst s6  }
0xf: {  	[smem:$0x3FB0] =	sst s7  }
0x10: {  	[smem:$0x3FB1] =	sst s8  }
0x11: {  	[smem:$0x3FB2] =	sst s9;
	s0 =	simm.s32 @!p0 $0x0  }
0x12: {  	s1 =	sld [smem:$0x3F98];
	s0 =	simm.s32 @p0 $0x1  }
0x13: {  	[smem:$0x3FB3] =	sst s0;
	s0 =	simm.s32 @!p1 $0x0  }
0x14: {  	s2 =	sld [smem:$0x3F97];
	s0 =	simm.s32 @p1 $0x1  }
0x15: {  	[smem:$0x3FB4] =	sst s0;
	s0 =	simm.s32 @!p2 $0x0  }
0x16: {  	s3 =	sld [smem:$0x3FDB];
	s0 =	simm.s32 @p2 $0x1  }
0x17: {  	s4 =	simm.s32 $0x1BF5;
	[smem:$0x3FB6] =	sst s0  }
0x18: {  	s0 =	sld [smem:$0x3F99];
	_ =	swait.ge [sflag:s4], $0x0  }
0x19: {  	s7 =	sld [smem:$0x3F9A]  }
0x1a: {  	s8 =	sadd.s32 $0xFFFFE003, lr  }
0x1b: {  	s9 =	sadd.s32 $0xFFFFFEF7, lr;
	s5 =	simm.s32 $0xFFFFFFFF;
	p2 =	slt.u32 s8, $0xFFFFF086  }
0x1c: {  	p1 =	slt.u32 s9, $0xF7A;
	s5 =	simm.s32 @!p2 $0x0  }
0x1d: {  	s5 =	simm.s32 @p1 $0x1;
	p0 =	seq.s32 s7, s2  }
0x1e: {  	s7 =	smul.u32 @!p0 $0xF7A, s2;
	p2 =	seq.s32 @!p0 s5, $0x0  }
0x1f: {  	s9 =	smul.u32 $0xF7A, s1;
	s8 =	simm.s32 @!p0 $0x1BF5;
	p2 =	por !p2, p0  }
0x20: {  	[sflag:s8] =	ssyncset.s32 @!p0 $0xFFFFF086;
	s6 =	sadd.s32 @!p0 s3, s7;
	s7 =	simm.s32 @!p0 $0x108  }
0x21: {  	s3 =	sadd.s32 s3, s9;
	s6 =	sadd.s32 @!p0 $0x88, s6;
	s7 =	simm.s32 @p2 $0x1082  }
0x22: {  	[simem:s7], [sflag:s8] =	dma.local @!p0 [hbm:s6], $0xF7A  }
0x23: {  	s9 =	sor.u32 $0xD0000000, s2;
	s6 =	simm.s32 $0x108;
	_ =	swait.ge @!p0 [sflag:s8], $0x0  }
0x24: {  	s3 =	sadd.s32 $0x88, s3;
	s6 =	simm.s32 @!p1 $0x1082;
	[sflag:s4] =	ssyncset.s32 $0xFFFFF086  }
0x25: {  	[simem:s6], [sflag:s4] =	dma.local [hbm:s3], $0xF7A  }
0x26: {  	[smem:$0x3F9A] =	sst s1;
	(tag) =	ssettag s2;
	_ =	strace s9  }
0x27: {  	s1 =	sld [smem:$0x3FAA]  }
0x28: {  	s2 =	sld [smem:$0x3FAB]  }
0x29: {  	s4 =	sld [smem:$0x3FAD]  }
0x2a: {  	p0 =	seq.s32 s5, $0x0;
	s5 =	sld [smem:$0x3FAE]  }
0x2b: {  	s6 =	sld [smem:$0x3FAF]  }
0x2c: {  	s7 =	sld [smem:$0x3FB0]  }
0x2d: {  	s3 =	simm.s32 $0x108;
	s8 =	sld [smem:$0x3FB1]  }
0x2e: {  	s3 =	simm.s32 @!p0 $0x1082;
	s9 =	sld [smem:$0x3FB2]  }
0x2f: {  	lr =	sadd.s32 s0, s3;
	s0 =	sld [smem:$0x3FA9]  }
0x30: {  	s3 =	sld [smem:$0x3FAC]  }
0x31: {  	[smem:$0x3FB5] =	sst s10  }
0x32: {  	s10 =	sld [smem:$0x3FB3];
	_ =	sdelay $0x3  }
0x33: {  	p0 =	seq.s32 s10, $0x1;
	s10 =	sld [smem:$0x3FB5];
	_ =	sdelay $0x3  }
0x34: {  	[smem:$0x3FB5] =	sst s10  }
0x35: {  	s10 =	sld [smem:$0x3FB4];
	_ =	sdelay $0x3  }
0x36: {  	p1 =	seq.s32 s10, $0x1;
	s10 =	sld [smem:$0x3FB5];
	_ =	sdelay $0x3  }
0x37: {  	[smem:$0x3FB5] =	sst s10  }
0x38: {  	s10 =	sld [smem:$0x3FB6]  }
0x39: {  	_ = 	snop;
	(pc) =	sbr.ind lr, $3  }
0x3a: {  	_ = 	snop  }
0x3b: {  	_ = 	snop  }
0x3c: {  	p2 =	seq.s32 s10, $0x1;
	s10 =	sld [smem:$0x3FB5]  }
0x3d: {  	_ =	shalt  }
0x3e: {  	_ =	shalt  }
0x3f: {  	_ =	shalt  }
0x40: {  	_ =	shalt  }
0x41: {  	_ =	shalt  }
0x42: {  	_ =	shalt  }
0x43: {  	_ =	shalt  }
0x44: {  	_ =	shalt  }
0x45: {  	_ =	shalt  }
0x46: {  	_ =	shalt  }
0x47: {  	_ =	shalt  }
0x48: {  	_ =	shalt  }
0x49: {  	_ =	shalt  }
0x4a: {  	_ =	shalt  }
0x4b: {  	_ =	shalt  }
0x4c: {  	_ =	shalt  }
0x4d: {  	_ =	shalt  }
0x4e: {  	_ =	shalt  }
0x4f: {  	_ =	shalt  }
0x50: {  	_ =	shalt  }
0x51: {  	_ =	shalt  }
0x52: {  	_ =	shalt  }
0x53: {  	_ =	shalt  }
0x54: {  	_ =	shalt  }
0x55: {  	_ =	shalt  }
0x56: {  	_ =	shalt  }
0x57: {  	_ =	shalt  }
0x58: {  	_ =	shalt  }
0x59: {  	_ =	shalt  }
0x5a: {  	_ =	shalt  }
0x5b: {  	_ =	shalt  }
0x5c: {  	_ =	shalt  }
0x5d: {  	_ =	shalt  }
0x5e: {  	_ =	shalt  }
0x5f: {  	_ =	shalt  }
0x60: {  	_ =	shalt  }
0x61: {  	_ =	shalt  }
0x62: {  	_ =	shalt  }
0x63: {  	_ =	shalt  }
0x64: {  	_ =	shalt  }
0x65: {  	_ =	shalt  }
0x66: {  	_ =	shalt  }
0x67: {  	_ =	shalt  }
0x68: {  	_ =	shalt  }
0x69: {  	_ =	shalt  }
0x6a: {  	_ =	shalt  }
0x6b: {  	_ =	shalt  }
0x6c: {  	_ =	shalt  }
0x6d: {  	_ =	shalt  }
0x6e: {  	_ =	shalt  }
0x6f: {  	_ =	shalt  }
0x70: {  	_ =	shalt  }
0x71: {  	_ =	shalt  }
0x72: {  	_ =	shalt  }
0x73: {  	_ =	shalt  }
0x74: {  	_ =	shalt  }
0x75: {  	_ =	shalt  }
0x76: {  	_ =	shalt  }
0x77: {  	_ =	shalt  }
0x78: {  	_ =	shalt  }
0x79: {  	_ =	shalt  }
0x7a: {  	_ =	shalt  }
0x7b: {  	_ =	shalt  }
0x7c: {  	_ =	shalt  }
0x7d: {  	_ =	shalt  }
0x7e: {  	_ =	shalt  }
0x7f: {  	_ =	shalt  }
0x80: {  	_ =	shalt  }
0x81: {  	_ =	shalt  }
0x82: {  	_ =	shalt  }
0x83: {  	_ =	shalt  }
0x84: {  	_ =	shalt  }
0x85: {  	_ =	shalt  }
0x86: {  	_ =	shalt  }
0x87: {  	_ =	shalt  }
.Lfunc_end0:
.L_simem_size_0:
called_computation_lowered:
.L_overlay_start_0:
0x88: {  	s2 =	sld [smem:$0x3FD9]  }
0x89: {  	s3 =	sld [smem:$0x3FFE];
	_ =	sdelay $0x1  }
0x8a: {  	s1 =	srdreg.scid  }
0x8b: {  	s0 =	sand.u32 $0x1, s1  }
0x8c: {  	s17 =	sshll.u32 s0, $0xA;
	s2 =	sadd.s32 s3, s2  }
0x8d: {  	s2 =	sadd.s32 s2, s17  }
0x8e: {  	[smem:$0x3FC1] =	sst s2  }
0x8f: {  	_ = 	snop  }
0x90: {  	s2 =	sld [smem:$0x3FC9]  }
0x91: {  	s18 =	sld [smem:$0x3FD0];
	(tm) =	ssettm $0x1  }
0x92: {  	s4 =	sld [smem:$0x3FFB];
	_ =	sdelay $0x3  }
0x93: {  	_ =	strace s4  }
0x94: {  	s4 =	sld [smem:$0x3FFC];
	_ =	sdelay $0x3  }
0x95: {  	_ =	strace s4  }
0x96: {  	s4 =	sld [smem:$0x3FFD];
	_ =	sdelay $0x3  }
0x97: {  	_ =	strace s4  }
0x98: {  	_ =	strace $0x8FFFFFFF  }
0x99: {  	s19 =	sld [smem:$0x3FDB];
	_ =	sdelay $0x1  }
0x9a: {  	s5 =	simm.s32 $_scs_section_size  }
0x9b: {  	s6 =	simm.s32 $_size__tile_overlayer_lowered;
	s7 =	simm.s32 $_tile_overlayer_lowered  }
0x9c: {  	s22 =	simm.s32 $0x1BFF;
	s21 =	sshll.u32 s7, $0x1;
	s4 =	sadd.s32 s5, s19  }
0x9d: {  	s8 =	simm.s32 $0x0;
	s20 =	sshll.u32 s6, $0x1;
	s6 =	sadd.s32 s21, s4  }
0x9e: {  	[timem:s8], [sflag:s22] =	dma.local [hbm:s6], s20  }
0x9f: {  	_ =	swait.ge [sflag:s22], s20  }
0xa0: {  	s5 =	ssub.s32 $0x0, s20;
	[sflag:s22] =	ssyncset.done $0x0  }
0xa1: {  	[sflag:s22] =	ssyncadd.s32 s5;
	_ =	sdelay $0x1  }
0xa2: {  	s23 =	simm.s32 $0x1B8B  }
0xa3: {  	_ =	swait.ge [sflag:s23], $0x1  }
0xa4: {  	[sflag:s23] =	ssyncset.done $0x0  }
0xa5: {  	s25 =	simm.s32 $0x1B8E;
	s24 =	sld [smem:$0x3FFE];
	[sflag:s23] =	ssyncadd.s32 $0xFFFFFFFF  }
0xa6: {  	s26 =	simm.s32 $execute0_lowered;
	[smem:$0x3FD2] =	sst s25  }
0xa7: {  	s6 =	sshll.u32 s26, $0x1;
	_ =	strace $0x80000046;
	[dreg:$0x1] =	wrdreg $0xFFFFFFFF  }
0xa8: {  	s28 =	simm.s32 $_size_execute0_lowered;
	s4 =	sadd.s32 s4, s6;
	[dreg:$0x0] =	wrdreg $0x0  }
0xa9: {  	s6 =	sshll.u32 s28, $0x1;
	[dreg:$0x2] =	wrdreg s4  }
0xaa: {  	[dreg:$0x3] =	wrdreg s6  }
0xab: {  	[dreg:$0x4] =	wrdreg $0xC0  }
0xac: {  	_ =	task [dreg:s8], $0x5FFFF  }
0xad: {  	[dreg:$0x1] =	wrdreg $0xFFFFFFFF  }
0xae: {  	[dreg:$0x0] =	wrdreg $0x60  }
0xaf: {  	[dreg:$0x2] =	wrdreg s2  }
0xb0: {  	[dreg:$0x3] =	wrdreg s18  }
0xb1: {  	[dreg:$0x4] =	wrdreg s24  }
0xb2: {  	[dreg:$0x5] =	wrdreg $0xA1000  }
0xb3: {  	[dreg:$0x6] =	wrdreg $0x9  }
0xb4: {  	_ =	task.clear_ibuf [dreg:s8], $0x7FFFF;
	_ =	strace $0x90000046  }
0xb5: {  	s29 =	simm.s32 $0x9;
	_ =	strace $0x80000048  }
0xb6: {  	_ =	swait.ge [sflag:s29], $0x1  }
0xb7: {  	[sflag:s29] =	ssyncadd.s32 $0xFFFFFFFF  }
0xb8: {  	_ =	strace $0x90000048  }
0xb9: {  	_ =	sfence  }
0xba: {  	s30 =	sld [smem:$0x0];
	_ =	sdelay $0x2  }
0xbb: {  	s31 =	sshll.u32 s1, $0xD;
	s1 =	sshrl.u32 s1, $0x2  }
0xbc: {  	s3 =	sand.u32 $0x4000, s31;
	s1 =	sadd.s32 s1, s30  }
0xbd: {  	s0 =	sor.u32 s3, s0;
	s1 =	sshll.u32 s1, $0x11  }
0xbe: {  	s0 =	sor.u32 s1, s0  }
0xbf: {  	s0 =	sadd.s32 $0x8F2B, s0  }
0xc0: {  	[sflag:s0] =	ssyncadd.remote.s32 $0x1  }
0xc1: {  	_ =	sfence.sel $0xFFFF  }
0xc2: {  	[dreg:$0x0] =	wrdreg $0xFFFFFFFF;
	(pc) =	sbr.abs _section_cstart, $3  }
0xc3: {  	[dreg:$0x1] =	wrdreg $0xFFFFFFFF  }
0xc4: {  	_ =	task.clear_ibuf [dreg:s8], $0x2FFFF;
	_ =	strace $0x9FFFFFFF  }
0xc5: {  	(tm) =	ssettm $0x7FFFFFFF  }
tec
execute0_lowered:
.L_overlay_start_1:
0x0: {  	(tag) =	ssettag $0x1  }
0x1: {  	s1 =	rddreg [dreg:$0x0]  }
0x2: {  	s0 =	rddreg [dreg:$0x1]  }
0x3: {  	s2 =	rddreg [dreg:$0x2]  }
0x4: {  	s3 =	rddreg [dreg:$0x3];
	s4 =	srdreg.scid  }
0x5: {  	s11 =	stileid.u32;
	s28 =	simm.s32 $0x2880;
	s30 =	simm.s32 $0x7900  }
0x6: {  	s31 =	simm.s32 $0x2;
	s29 =	simm.s32 $0x3;
	s7 =	smul.u32 $0x14000, s11  }
0x7: {  	s5 =	sand.u32 $0x1, s4;
	s4 =	simm.s32 $0x0;
	s10 =	smul.u32 $0x50000, s11  }
0x8: {  	s8 =	sshll.u32 s11, $0x1;
	s13 =	sadd.s32 $0x1600, s2;
	s17 =	smul.u32 $0x4E20, s11  }
0x9: {  	s16 =	sshll.u32 s11, $0x6;
	s6 =	smul.u32 $0x140000, s5;
	[smem:$0x7FF] =	sst s4  }
0xa: {  	s8 =	sor.u32 s5, s8;
	s14 =	ssub.s32 $0x2, s5;
	s5 =	smul.u32 $0x2710, s5  }
0xb: {  	s11 =	simm.s32 $0x0;
	_ =	strace $0x80000047;
	s12 =	smul.u32 $0x2710, s8  }
0xc: {  	[dreg:$0x5] =	wrdreg s13;
	s9 =	sshrl.u32 s14, $0x1;
	s15 =	sshrl.u32 s10, $0x2  }
0xd: {  	[dreg:$0x6] =	wrdreg s16;
	s10 =	sor.u32 $0x1C04, s16;
	s6 =	sadd.s32 s7, s6  }
0xe: {  	s8 =	ssub.s32 s14, s9;
	[dreg:$0x7] =	wrdreg s10;
	s5 =	sadd.s32 s5, s17  }
0xf: {  	s9 =	simm.s32 $0x9;
	s10 =	simm.s32 $0xA;
	s6 =	sshrl.u32 s6, $0x3  }
0x10: {  	s7 =	sshrl.u32 s12, $0x3;
	s23 =	smax.u32 s8, $0x1;
	s24 =	sadd.s32 $0x4E390, s5  }
0x11: {  	s25 =	sadd.s32 $0x4E340, s5;
	s5 =	sadd.s32 $0x4E2F0, s5;
	s8 =	simm.s32 $0x8  }
0x12: {  	s2 =	sadd.s32 s6, s2;
	s6 =	sadd.s32 s0, s7;
	s7 =	sadd.s32 s15, s3  }
0x13: {  	[dreg:$0xe] =	wrdreg s23;
	s26 =	sshrl.u32 s25, $0x3;
	s18 =	sadd.s32 $0x9C40, s6  }
0x14: {  	s5 =	sshrl.u32 s5, $0x3;
	s19 =	sadd.s32 $0x9C4A, s6;
	[dreg:$0x8] =	wrdreg s18  }
0x15: {  	s23 =	simm.s32 $0x50;
	s20 =	sadd.s32 $0x9C54, s6;
	[dreg:$0x9] =	wrdreg s19  }
0x16: {  	s25 =	simm.s32 $0x2800;
	s21 =	sadd.s32 $0xA10E, s6;
	[dreg:$0xa] =	wrdreg s20  }
0x17: {  	s22 =	sadd.s32 $0xA118, s6;
	s2 =	sadd.s32 $0x3E00, s2;
	[dreg:$0xb] =	wrdreg s21  }
0x18: {  	s17 =	sadd.s32 s26, s0;
	s26 =	simm.s32 $0x5100;
	[dreg:$0xc] =	wrdreg s22  }
0x19: {  	[dreg:$0xd] =	wrdreg s2;
	s2 =	sshrl.u32 s24, $0x3;
	s18 =	sadd.s32 s5, s0  }
0x1a: {  	s19 =	sshrl.u32 s7, $0x3;
	s20 =	simm.s32 $0x1;
	s21 =	simm.s32 $0x4  }
0x1b: {  	s22 =	simm.s32 $0x2780;
	s24 =	simm.s32 $0x2900;
	s5 =	simm.s32 $0x6  }
0x1c: {  	s16 =	sadd.s32 s2, s0;
	s0 =	simm.s32 $0x5;
	s2 =	simm.s32 $0x7  }
.LBB2_1:
0x1d: {  	[tilespmem:s4], [sflag:$0x1] =	stream.linear.gather [hbm4b:s6+s4], $0x2710, $0x38;
	[tilespmem:$0x1E100] =	vst v63  }
0x1e: {  	s7 =	rddreg [dreg:$0x5]  }
0x1f: {  	s12 =	rddreg [dreg:$0x7]  }
0x20: {  	[spmem:s19], [sflag:s12] =	dma.local [hbm:s7], $0x2800  }
0x21: {  	_ =	swait.ge [sflag:s20], $0x2710  }
0x22: {  	[sflag:s20] =	ssyncset.done $0x0  }
0x23: {  	[sflag:s20] =	ssyncadd.s32 $0xFFFFD8F0  }
0x24: {  	_ =	swait.ge [sflag:s21], $0x2800  }
0x25: {  	[sflag:s21] =	ssyncset.done $0x0  }
0x26: {  	[sflag:s21] =	ssyncadd.s32 $0xFFFFD800  }
0x27: {  	[bflag:$0x0] =	sbarrier.arrive $0xFFFF  }
0x28: {  	s15 =	rddreg [dreg:$0x8]  }
0x29: {  	[tilespmem:s22], [sflag:$0x1] =	stream.linear.gather [hbm4b:s15+s4], $0x50, $0x38;
	[tilespmem:$0x1E100] =	vst v63  }
0x2a: {  	_ = 	snop  }
0x2b: {  	[tilespmem:s24], [sflag:$0x4] =	stream.indirect.gather [hbm4b:s1+s23], $0x80, s4, s23, $0xb8;
	[tilespmem:$0x1E100] =	vst v63  }
0x2c: {  	s12 =	rddreg [dreg:$0x9]  }
0x2d: {  	[tilespmem:s25], [sflag:$0x2] =	stream.linear.gather [hbm4b:s12+s4], $0x50, $0x38;
	[tilespmem:$0x1E100] =	vst v63  }
0x2e: {  	_ = 	snop  }
0x2f: {  	[tilespmem:s26], [sflag:$0x5] =	stream.indirect.gather [hbm4b:s1+s23], $0x80, s23, s23, $0xb8;
	[tilespmem:$0x1E100] =	vst v63  }
0x30: {  	_ =	swait.ge [sflag:s20], $0x50  }
0x31: {  	[sflag:s20] =	ssyncset.done $0x0  }
0x32: {  	[sflag:s20] =	ssyncadd.s32 $0xFFFFFFB0  }
0x33: {  	_ =	swait.ge [sflag:s21], $0x2800  }
0x34: {  	[sflag:s21] =	ssyncset.done $0x0  }
0x35: {  	[sflag:s21] =	ssyncadd.s32 $0xFFFFD800  }
0x36: {  	[spmem:s3] =	stream.indirect.scatter.add.f32 [tilespmem:s24], [sflag:$0x7], $0x80, s22, s23, $0xb8;
	[tilespmem:$0x1E100] =	vst v63  }
0x37: {  	s13 =	rddreg [dreg:$0xa]  }
0x38: {  	[tilespmem:s28], [sflag:$0x3] =	stream.linear.gather [hbm4b:s13+s4], $0x50, $0x38;
	[tilespmem:$0x1E100] =	vst v63  }
0x39: {  	s14 =	simm.s32 $0xA0  }
0x3a: {  	[tilespmem:s30], [sflag:$0x6] =	stream.indirect.gather [hbm4b:s1+s23], $0x80, s14, s23, $0xb8;
	[tilespmem:$0x1E100] =	vst v63  }
0x3b: {  	_ =	swait.ge [sflag:s31], $0x50  }
0x3c: {  	[sflag:s31] =	ssyncset.done $0x0  }
0x3d: {  	[sflag:s31] =	ssyncadd.s32 $0xFFFFFFB0  }
0x3e: {  	_ =	swait.ge [sflag:s0], $0x2800  }
0x3f: {  	[sflag:s0] =	ssyncset.done $0x0  }
0x40: {  	[sflag:s0] =	ssyncadd.s32 $0xFFFFD800  }
0x41: {  	[spmem:s3] =	stream.indirect.scatter.add.f32 [tilespmem:s26], [sflag:$0x8], $0x80, s25, s23, $0xb8;
	[tilespmem:$0x1E100] =	vst v63  }
0x42: {  	_ =	swait.ge [sflag:s2], $0x2800  }
0x43: {  	[sflag:s2] =	ssyncset.done $0x0  }
0x44: {  	s15 =	sadd.s32 $0x0, s18;
	[sflag:s2] =	ssyncadd.s32 $0xFFFFD800  }
0x45: {  	[tilespmem:s22], [sflag:$0x1] =	stream.linear.gather [hbm4b:s15+s4], $0x50, $0x38;
	[tilespmem:$0x1E100] =	vst v63  }
0x46: {  	s12 =	simm.s32 $0xF0  }
0x47: {  	[tilespmem:s24], [sflag:$0x4] =	stream.indirect.gather [hbm4b:s1+s23], $0x80, s12, s23, $0xb8;
	[tilespmem:$0x1E100] =	vst v63  }
0x48: {  	_ =	swait.ge [sflag:s29], $0x50  }
0x49: {  	[sflag:s29] =	ssyncset.done $0x0  }
0x4a: {  	[sflag:s29] =	ssyncadd.s32 $0xFFFFFFB0  }
0x4b: {  	_ =	swait.ge [sflag:s5], $0x2800  }
0x4c: {  	[sflag:s5] =	ssyncset.done $0x0  }
0x4d: {  	[sflag:s5] =	ssyncadd.s32 $0xFFFFD800  }
0x4e: {  	[spmem:s3] =	stream.indirect.scatter.add.f32 [tilespmem:s30], [sflag:$0x9], $0x80, s28, s23, $0xb8;
	[tilespmem:$0x1E100] =	vst v63  }
0x4f: {  	_ =	swait.ge [sflag:s8], $0x2800  }
0x50: {  	[sflag:s8] =	ssyncset.done $0x0  }
0x51: {  	s13 =	sadd.s32 $0x0, s17;
	[sflag:s8] =	ssyncadd.s32 $0xFFFFD800  }
0x52: {  	[tilespmem:s25], [sflag:$0x2] =	stream.linear.gather [hbm4b:s13+s4], $0x50, $0x38;
	[tilespmem:$0x1E100] =	vst v63  }
0x53: {  	s14 =	simm.s32 $0x140  }
0x54: {  	[tilespmem:s26], [sflag:$0x5] =	stream.indirect.gather [hbm4b:s1+s23], $0x80, s14, s23, $0xb8;
	[tilespmem:$0x1E100] =	vst v63  }
0x55: {  	_ =	swait.ge [sflag:s20], $0x50  }
0x56: {  	[sflag:s20] =	ssyncset.done $0x0  }
0x57: {  	[sflag:s20] =	ssyncadd.s32 $0xFFFFFFB0  }
0x58: {  	_ =	swait.ge [sflag:s21], $0x2800  }
0x59: {  	[sflag:s21] =	ssyncset.done $0x0  }
0x5a: {  	[sflag:s21] =	ssyncadd.s32 $0xFFFFD800  }
0x5b: {  	[spmem:s3] =	stream.indirect.scatter.add.f32 [tilespmem:s24], [sflag:$0x7], $0x80, s22, s23, $0xb8;
	[tilespmem:$0x1E100] =	vst v63  }
0x5c: {  	_ =	swait.ge [sflag:s9], $0x2800  }
0x5d: {  	s7 =	simm.s32 $0x1E;
	s15 =	sadd.s32 $0x0, s16;
	[sflag:s9] =	ssyncset.done $0x0  }
0x5e: {  	s12 =	simm.s32 $0x190;
	s13 =	simm.s32 $0x280;
	[sflag:s9] =	ssyncadd.s32 $0xFFFFD800  }
0x5f: {  	[tilespmem:s28], [sflag:$0x3] =	stream.linear.gather [hbm4b:s15+s4], $0x50, $0x38;
	[tilespmem:$0x1E100] =	vst v63  }
.LBB2_2:
0x60: {  	[tilespmem:s30], [sflag:$0x6] =	stream.indirect.gather [hbm4b:s1+s23], $0x80, s12, s23, $0xb8;
	[tilespmem:$0x1E100] =	vst v63  }
0x61: {  	s14 =	smov.u32 s7;
	s12 =	smov.u32 s13  }
0x62: {  	p0 =	sne.s32 s7, $0x492;
	s7 =	sadd.s32 $0x1E, s7;
	_ =	swait.ge [sflag:s31], $0x50  }
0x63: {  	[sflag:s31] =	ssyncset.done $0x0  }
0x64: {  	[sflag:s31] =	ssyncadd.s32 $0xFFFFFFB0  }
0x65: {  	_ =	swait.ge [sflag:s0], $0x2800  }
0x66: {  	[sflag:s0] =	ssyncset.done $0x0  }
0x67: {  	[sflag:s0] =	ssyncadd.s32 $0xFFFFD800  }
0x68: {  	[spmem:s3] =	stream.indirect.scatter.add.f32 [tilespmem:s26], [sflag:$0x8], $0x80, s25, s23, $0xb8;
	[tilespmem:$0x1E100] =	vst v63  }
0x69: {  	_ =	swait.ge [sflag:s2], $0x2800  }
0x6a: {  	[sflag:s2] =	ssyncset.done $0x0  }
0x6b: {  	s15 =	sadd.s32 s14, s18;
	[sflag:s2] =	ssyncadd.s32 $0xFFFFD800  }
0x6c: {  	[tilespmem:s22], [sflag:$0x1] =	stream.linear.gather [hbm4b:s15+s4], $0x50, $0x38;
	[tilespmem:$0x1E100] =	vst v63  }
0x6d: {  	s15 =	sadd.s32 $0xFFFFFF60, s13  }
0x6e: {  	[tilespmem:s24], [sflag:$0x4] =	stream.indirect.gather [hbm4b:s1+s23], $0x80, s15, s23, $0xb8;
	[tilespmem:$0x1E100] =	vst v63  }
0x6f: {  	_ =	swait.ge [sflag:s29], $0x50  }
0x70: {  	[sflag:s29] =	ssyncset.done $0x0  }
0x71: {  	[sflag:s29] =	ssyncadd.s32 $0xFFFFFFB0  }
0x72: {  	_ =	swait.ge [sflag:s5], $0x2800  }
0x73: {  	[sflag:s5] =	ssyncset.done $0x0  }
0x74: {  	[sflag:s5] =	ssyncadd.s32 $0xFFFFD800  }
0x75: {  	[spmem:s3] =	stream.indirect.scatter.add.f32 [tilespmem:s30], [sflag:$0x9], $0x80, s28, s23, $0xb8;
	[tilespmem:$0x1E100] =	vst v63  }
0x76: {  	_ =	swait.ge [sflag:s8], $0x2800  }
0x77: {  	[sflag:s8] =	ssyncset.done $0x0  }
0x78: {  	s15 =	sadd.s32 s14, s17;
	[sflag:s8] =	ssyncadd.s32 $0xFFFFD800  }
0x79: {  	[tilespmem:s25], [sflag:$0x2] =	stream.linear.gather [hbm4b:s15+s4], $0x50, $0x38;
	[tilespmem:$0x1E100] =	vst v63  }
0x7a: {  	s15 =	sadd.s32 $0xFFFFFFB0, s13  }
0x7b: {  	[tilespmem:s26], [sflag:$0x5] =	stream.indirect.gather [hbm4b:s1+s23], $0x80, s15, s23, $0xb8;
	[tilespmem:$0x1E100] =	vst v63  }
0x7c: {  	_ =	swait.ge [sflag:s20], $0x50  }
0x7d: {  	[sflag:s20] =	ssyncset.done $0x0  }
0x7e: {  	[sflag:s20] =	ssyncadd.s32 $0xFFFFFFB0  }
0x7f: {  	_ =	swait.ge [sflag:s21], $0x2800  }
0x80: {  	[sflag:s21] =	ssyncset.done $0x0  }
0x81: {  	[sflag:s21] =	ssyncadd.s32 $0xFFFFD800  }
0x82: {  	[spmem:s3] =	stream.indirect.scatter.add.f32 [tilespmem:s24], [sflag:$0x7], $0x80, s22, s23, $0xb8;
	[tilespmem:$0x1E100] =	vst v63  }
.Ltmp0:
0x83: {  	_ =	swait.ge [sflag:s9], $0x2800;
	(pc) =	sbr.rel @p0 .LBB2_2-.Ltmp0, $4  }
0x84: {  	[sflag:s9] =	ssyncset.done $0x0  }
0x85: {  	s14 =	sadd.s32 s14, s16;
	[sflag:s9] =	ssyncadd.s32 $0xFFFFD800  }
0x86: {  	[tilespmem:s28], [sflag:$0x3] =	stream.linear.gather [hbm4b:s14+s4], $0x50, $0x38;
	[tilespmem:$0x1E100] =	vst v63  }
0x87: {  	s13 =	sadd.s32 $0xF0, s13  }
0x88: {  	[tilespmem:s30], [sflag:$0x6] =	stream.indirect.gather [hbm4b:s1+s23], $0x80, s12, s23, $0xb8;
	[tilespmem:$0x1E100] =	vst v63  }
0x89: {  	_ =	swait.ge [sflag:s31], $0x50  }
0x8a: {  	[sflag:s31] =	ssyncset.done $0x0  }
0x8b: {  	[sflag:s31] =	ssyncadd.s32 $0xFFFFFFB0  }
0x8c: {  	_ =	swait.ge [sflag:s0], $0x2800  }
0x8d: {  	[sflag:s0] =	ssyncset.done $0x0  }
0x8e: {  	[sflag:s0] =	ssyncadd.s32 $0xFFFFD800  }
0x8f: {  	[spmem:s3] =	stream.indirect.scatter.add.f32 [tilespmem:s26], [sflag:$0x8], $0x80, s25, s23, $0xb8;
	[tilespmem:$0x1E100] =	vst v63  }
0x90: {  	_ =	swait.ge [sflag:s2], $0x2800  }
0x91: {  	[sflag:s2] =	ssyncset.done $0x0  }
0x92: {  	s7 =	rddreg [dreg:$0xb];
	[sflag:s2] =	ssyncadd.s32 $0xFFFFD800  }
0x93: {  	[tilespmem:s22], [sflag:$0x1] =	stream.linear.gather [hbm4b:s7+s4], $0x50, $0x38;
	[tilespmem:$0x1E100] =	vst v63  }
0x94: {  	s14 =	simm.s32 $0x2670  }
0x95: {  	[tilespmem:s24], [sflag:$0x4] =	stream.indirect.gather [hbm4b:s1+s23], $0x80, s14, s23, $0xb8;
	[tilespmem:$0x1E100] =	vst v63  }
0x96: {  	_ =	swait.ge [sflag:s29], $0x50  }
0x97: {  	[sflag:s29] =	ssyncset.done $0x0  }
0x98: {  	[sflag:s29] =	ssyncadd.s32 $0xFFFFFFB0  }
0x99: {  	_ =	swait.ge [sflag:s5], $0x2800  }
0x9a: {  	[sflag:s5] =	ssyncset.done $0x0  }
0x9b: {  	[sflag:s5] =	ssyncadd.s32 $0xFFFFD800  }
0x9c: {  	[spmem:s3] =	stream.indirect.scatter.add.f32 [tilespmem:s30], [sflag:$0x9], $0x80, s28, s23, $0xb8;
	[tilespmem:$0x1E100] =	vst v63  }
0x9d: {  	_ =	swait.ge [sflag:s8], $0x2800  }
0x9e: {  	[sflag:s8] =	ssyncset.done $0x0  }
0x9f: {  	s15 =	rddreg [dreg:$0xc];
	[sflag:s8] =	ssyncadd.s32 $0xFFFFD800  }
0xa0: {  	[tilespmem:s25], [sflag:$0x2] =	stream.linear.gather [hbm4b:s15+s4], $0x50, $0x38;
	[tilespmem:$0x1E100] =	vst v63  }
0xa1: {  	s12 =	simm.s32 $0x26C0  }
0xa2: {  	[tilespmem:s26], [sflag:$0x5] =	stream.indirect.gather [hbm4b:s1+s23], $0x80, s12, s23, $0xb8;
	[tilespmem:$0x1E100] =	vst v63  }
0xa3: {  	_ =	swait.ge [sflag:s20], $0x50  }
0xa4: {  	[sflag:s20] =	ssyncset.done $0x0  }
0xa5: {  	[sflag:s20] =	ssyncadd.s32 $0xFFFFFFB0  }
0xa6: {  	_ =	swait.ge [sflag:s21], $0x2800  }
0xa7: {  	[sflag:s21] =	ssyncset.done $0x0  }
0xa8: {  	[sflag:s21] =	ssyncadd.s32 $0xFFFFD800  }
0xa9: {  	[spmem:s3] =	stream.indirect.scatter.add.f32 [tilespmem:s24], [sflag:$0x7], $0x80, s22, s23, $0xb8;
	[tilespmem:$0x1E100] =	vst v63  }
0xaa: {  	_ =	swait.ge [sflag:s9], $0x2800  }
0xab: {  	[sflag:s9] =	ssyncset.done $0x0  }
0xac: {  	[sflag:s9] =	ssyncadd.s32 $0xFFFFD800  }
0xad: {  	_ =	swait.ge [sflag:s31], $0x50  }
0xae: {  	[sflag:s31] =	ssyncset.done $0x0  }
0xaf: {  	[sflag:s31] =	ssyncadd.s32 $0xFFFFFFB0  }
0xb0: {  	_ =	swait.ge [sflag:s0], $0x2800  }
0xb1: {  	[sflag:s0] =	ssyncset.done $0x0  }
0xb2: {  	[sflag:s0] =	ssyncadd.s32 $0xFFFFD800  }
0xb3: {  	[spmem:s3] =	stream.indirect.scatter.add.f32 [tilespmem:s26], [sflag:$0x8], $0x80, s25, s23, $0xb8;
	[tilespmem:$0x1E100] =	vst v63  }
0xb4: {  	_ =	swait.ge [sflag:s2], $0x2800  }
0xb5: {  	[sflag:s2] =	ssyncset.done $0x0  }
0xb6: {  	[sflag:s2] =	ssyncadd.s32 $0xFFFFD800  }
0xb7: {  	_ =	swait.ge [sflag:s8], $0x2800  }
0xb8: {  	[sflag:s8] =	ssyncset.done $0x0  }
0xb9: {  	[sflag:s8] =	ssyncadd.s32 $0xFFFFD800  }
0xba: {  	[bflag:$0x0] =	sbarrier.arrive $0xFFFF  }
0xbb: {  	s13 =	rddreg [dreg:$0x6]  }
0xbc: {  	s14 =	rddreg [dreg:$0xd];
	s7 =	sor.u32 $0x1C0A, s13  }
0xbd: {  	[hbm:s14], [sflag:s7] =	dma.local [spmem:s19], $0x2800  }
0xbe: {  	_ =	swait.ge [sflag:s10], $0x2800  }
0xbf: {  	s11 =	sadd.s32 $0x1, s11;
	s15 =	rddreg [dreg:$0xe]  }
0xc0: {  	p0 =	sne.s32 s11, s15  }
.Ltmp1:
0xc1: {  	_ = 	snop;
	(pc) =	sbr.rel @p0 .LBB2_1-.Ltmp1, $3  }
0xc2: {  	_ =	sdelay $0x1  }
0xc3: {  	[sflag:s10] =	ssyncset.done $0x0  }
0xc4: {  	[sflag:s10] =	ssyncadd.s32 $0xFFFFD800  }
0xc5: {  	_ =	sfence.sel $0x180000  }
0xc6: {  	[bflag:$0x0] =	sbarrier.arrive $0xFFFF  }
0xc7: {  	_ =	strace $0x90000047  }
0xc8: {  	s0 =	stileid.u32;
	[bflag:$0x2] =	sbarrier.arrive $0xFFFF  }
0xc9: {  	p0 =	sne.s32 s0, $0x0;
	s0 =	rddreg [dreg:$0x4]  }
0xca: {  	s0 =	sadd.s32 @!p0 $0x100000, s0  }
0xcb: {  	[sflag:s0] =	ssyncadd.tile.s32 @!p0 $0x1;
	_ =	shalt  }
.Lfunc_end2:
_tile_overlayer_lowered:
.L_overlay_start_2:
0xcc: {  	(tag) =	ssettag $0x2  }
0xcd: {  	s0 =	rddreg [dreg:$0x0];
	s2 =	stileid.u32  }
0xce: {  	s1 =	rddreg [dreg:$0x1];
	p0 =	sne.s32 s2, $0x0  }
0xcf: {  	s3 =	rddreg [dreg:$0x2];
	[bflag:$0x3] =	sbarrier.arrive $0xFFFF;
	s2 =	simm.s32 @!p0 $0x1C0A  }
0xd0: {  	[timem:s3], [sflag:s2] =	dma.local @!p0 [hbm:s0], s1  }
0xd1: {  	s0 =	simm.s32 @!p0 $0xA  }
0xd2: {  	_ =	swait.ge @!p0 [sflag:s0], s1  }
0xd3: {  	s1 =	ssub.s32 @!p0 $0x0, s1;
	[sflag:s0] =	ssyncset.done @!p0 $0x0  }
0xd4: {  	[sflag:s0] =	ssyncadd.s32 @!p0 s1  }
0xd5: {  	[bflag:$0x3] =	sbarrier.arrive $0xFFFF  }
0xd6: {  	_ =	shalt  }

</sc_bundles>
